<compile_context>
chip_gen: v7x
topology: tpu7x:2x2x1
jax: 0.10.2.dev20260603
libtpu: 0.0.44.dev20260713+nightly
codegen_flags: <defaults>
</compile_context>

<pallas_src>
import functools

import jax
import jax.numpy as jnp
from jax import lax
from jax.experimental import pallas as pl
from jax.experimental.pallas import tpu as pltpu
from jax.experimental.pallas import tpu_sc as plsc

B = 2
N = 4096
NN = 2 * N
M = N
K = 16
C = 64
D = 128
NS_TOT = B * M * K


_CH = 128


def _sc_gather(table, idx2):
    nw, nch, ch = idx2.shape
    rows = nw * nch * ch
    mesh = plsc.VectorSubcoreMesh(core_axis_name="c", subcore_axis_name="s")
    info = plsc.get_sparse_core_info()
    nc = info.num_cores

    @functools.partial(
        pl.kernel,
        mesh=mesh,
        out_type=jax.ShapeDtypeStruct((rows, D), jnp.float32),
        scratch_types=[
            pltpu.VMEM((nch, ch), jnp.int32),
            pltpu.VMEM((ch, D), jnp.float32),
            pltpu.SemaphoreType.DMA,
        ],
    )
    def k(table_hbm, idx_hbm, out_hbm, idx_v, rows_v, sem):
        wid = lax.axis_index("s") * nc + lax.axis_index("c")
        pltpu.sync_copy(idx_hbm.at[wid], idx_v)

        def body(c, _):
            pltpu.async_copy(table_hbm.at[idx_v.at[c]], rows_v, sem).wait()
            pltpu.sync_copy(rows_v, out_hbm.at[pl.ds((wid * nch + c) * ch, ch)])
            return _

        lax.fori_loop(0, nch, body, None)

    return k(table, idx2)


def _chunk_idx(idx_flat, nw=32):
    n = idx_flat.shape[0]
    return idx_flat.reshape(nw, n // (nw * _CH), _CH)



_MB = 128


def _topk_body(q_ref, pts_ref, idx_ref, d_ref):
    q = q_ref[:, 0:3]
    p = pts_ref[0]
    qp = lax.dot_general(q.astype(jnp.bfloat16), p.astype(jnp.bfloat16),
                         (((1,), (0,)), ((), ())),
                         preferred_element_type=jnp.float32)
    p2 = jnp.sum(p * p, axis=0, keepdims=True)
    q2 = jnp.sum(q * q, axis=1, keepdims=True)
    d_ref[...] = q2 + p2 - 2.0 * qp
    iota = lax.broadcasted_iota(jnp.int32, (_MB, NN), 1).astype(jnp.float32)
    d = d_ref[...]
    m = jnp.min(d, axis=1, keepdims=True)
    cols = []
    for t in range(K):
        sel = jnp.where(d == m, iota, float(NN))
        it = jnp.min(sel, axis=1, keepdims=True)
        cols.append(it.astype(jnp.int32))
        if t < K - 1:
            d = jnp.where(iota == it, jnp.inf, d)
            m = jnp.min(d, axis=1, keepdims=True)
    idx_ref[...] = jnp.concatenate(cols, axis=1)


def _run_topk(qrows, pts):
    nmb = M // _MB
    return pl.pallas_call(
        _topk_body,
        grid=(B, nmb),
        in_specs=[
            pl.BlockSpec((_MB, D), lambda b, i: (b * nmb + i, 0)),
            pl.BlockSpec((1, 3, NN), lambda b, i: (b, 0, 0)),
        ],
        out_specs=pl.BlockSpec((_MB, K), lambda b, i: (b * nmb + i, 0)),
        out_shape=jax.ShapeDtypeStruct((B * M, K), jnp.int32),
        scratch_shapes=[pltpu.VMEM((_MB, NN), jnp.float32)],
    )(qrows, pts)



_RB = 2048
_QB = _RB // K
_NBLK = NS_TOT // _RB


def _accum_stats(st_ref, z, width):
    s1 = jnp.sum(z, axis=0, keepdims=True)
    s2 = jnp.sum(z * z, axis=0, keepdims=True)
    st = jnp.concatenate([s1, s2, jnp.zeros((6, width), jnp.float32)], axis=0)

    @pl.when(pl.program_id(0) == 0)
    def _():
        st_ref[...] = st

    @pl.when(pl.program_id(0) > 0)
    def _():
        st_ref[...] = st_ref[...] + st


def _bn_affine(st_ref, aux_ref, win):
    mean = st_ref[0:1, 0:win] * (1.0 / NS_TOT)
    ex2 = st_ref[1:2, 0:win] * (1.0 / NS_TOT)
    var = ex2 - mean * mean
    inv = aux_ref[0:1, 0:win] * lax.rsqrt(var + 1e-5)
    shift = aux_ref[1:2, 0:win] - mean * inv
    return inv, shift


def _p1_body(g_ref, q_ref, w_ref, z_ref, st_ref):
    qb = q_ref[...]
    qexp = jnp.broadcast_to(qb[:, None, :], (_QB, K, D)).reshape(_RB, D)
    g = g_ref[...]
    resi = g[:, 0:3] - qexp[:, 0:3]
    sq = jnp.sum(resi * resi, axis=1, keepdims=True)
    dist = jnp.sqrt(sq)
    fres = jnp.sum(g[:, 3:67] * qexp[:, 3:67], axis=1, keepdims=True)
    ones = jnp.ones((_RB, 1), jnp.float32)
    zer = jnp.zeros((_RB, 2), jnp.float32)
    x0 = jnp.concatenate([resi, dist, fres, ones, zer], axis=1)
    z = jnp.dot(x0.astype(jnp.bfloat16), w_ref[...].astype(jnp.bfloat16),
                preferred_element_type=jnp.float32)
    z_ref[...] = z
    _accum_stats(st_ref, z, 128)


def _p23_body(zin_ref, st_ref, aux_ref, w_ref, bias_ref, z_ref, sto_ref, *, width):
    inv, shift = _bn_affine(st_ref, aux_ref, 128)
    x = jnp.maximum(zin_ref[...] * inv + shift, 0.0)
    z = jnp.dot(x.astype(jnp.bfloat16), w_ref[...].astype(jnp.bfloat16),
                preferred_element_type=jnp.float32)
    z = z + bias_ref[0:1, 0:width]
    z_ref[...] = z
    _accum_stats(sto_ref, z, width)


def _softmax16(logits):
    t = logits.reshape(_QB, K)
    t = t - jnp.max(t, axis=1, keepdims=True)
    e = jnp.exp(t)
    w = e / jnp.sum(e, axis=1, keepdims=True)
    return w.reshape(_RB, 1)


def _p3_body(zin_ref, st_ref, aux_ref, w_ref, bias_ref, sto_ref):
    inv, shift = _bn_affine(st_ref, aux_ref, 128)
    x = jnp.maximum(zin_ref[...] * inv + shift, 0.0)
    z = jnp.dot(x.astype(jnp.bfloat16), w_ref[...].astype(jnp.bfloat16),
                preferred_element_type=jnp.float32)
    z = z + bias_ref[0:1, 0:256]
    _accum_stats(sto_ref, z, 256)


def _p4_body(z2_ref, st2_ref, aux3_ref, w3_ref, bias3_ref, st_ref, aux_ref,
             g_ref, out_ref):
    inv2, shift2 = _bn_affine(st2_ref, aux3_ref, 128)
    x2 = jnp.maximum(z2_ref[...] * inv2 + shift2, 0.0)
    z3 = jnp.dot(x2.astype(jnp.bfloat16), w3_ref[...].astype(jnp.bfloat16),
                 preferred_element_type=jnp.float32)
    z3 = z3 + bias3_ref[0:1, 0:256]
    inv, shift = _bn_affine(st_ref, aux_ref, 256)
    x = jnp.maximum(z3 * inv + shift, 0.0)
    la = jnp.max(x[:, 0:128], axis=1, keepdims=True)
    lb = jnp.max(x[:, 128:256], axis=1, keepdims=True)
    wa = _softmax16(la)
    wb = _softmax16(lb)
    lane = lax.broadcasted_iota(jnp.int32, (_RB, D), 1)
    wcomb = jnp.where(lane < 3, wa, jnp.where(lane < 67, wb, 0.0))
    weighted = wcomb * g_ref[...]
    out_ref[...] = jnp.sum(weighted.reshape(_QB, K, D), axis=1)


def _run_mlp(gathered, qrows, w1t, a2, aux2, bias2, a3, aux3, bias3, aux4):
    z1, st1 = pl.pallas_call(
        _p1_body,
        grid=(_NBLK,),
        in_specs=[
            pl.BlockSpec((_RB, D), lambda i: (i, 0)),
            pl.BlockSpec((_QB, D), lambda i: (i, 0)),
            pl.BlockSpec((8, 128), lambda i: (0, 0)),
        ],
        out_specs=[
            pl.BlockSpec((_RB, 128), lambda i: (i, 0)),
            pl.BlockSpec((8, 128), lambda i: (0, 0)),
        ],
        out_shape=[
            jax.ShapeDtypeStruct((NS_TOT, 128), jnp.float32),
            jax.ShapeDtypeStruct((8, 128), jnp.float32),
        ],
    )(gathered, qrows, w1t)
    z2, st2 = pl.pallas_call(
        functools.partial(_p23_body, width=128),
        grid=(_NBLK,),
        in_specs=[
            pl.BlockSpec((_RB, 128), lambda i: (i, 0)),
            pl.BlockSpec((8, 128), lambda i: (0, 0)),
            pl.BlockSpec((8, 128), lambda i: (0, 0)),
            pl.BlockSpec((128, 128), lambda i: (0, 0)),
            pl.BlockSpec((8, 128), lambda i: (0, 0)),
        ],
        out_specs=[
            pl.BlockSpec((_RB, 128), lambda i: (i, 0)),
            pl.BlockSpec((8, 128), lambda i: (0, 0)),
        ],
        out_shape=[
            jax.ShapeDtypeStruct((NS_TOT, 128), jnp.float32),
            jax.ShapeDtypeStruct((8, 128), jnp.float32),
        ],
    )(z1, st1, aux2, a2, bias2)
    st3 = pl.pallas_call(
        _p3_body,
        grid=(_NBLK,),
        in_specs=[
            pl.BlockSpec((_RB, 128), lambda i: (i, 0)),
            pl.BlockSpec((8, 128), lambda i: (0, 0)),
            pl.BlockSpec((8, 128), lambda i: (0, 0)),
            pl.BlockSpec((128, 256), lambda i: (0, 0)),
            pl.BlockSpec((8, 256), lambda i: (0, 0)),
        ],
        out_specs=pl.BlockSpec((8, 256), lambda i: (0, 0)),
        out_shape=jax.ShapeDtypeStruct((8, 256), jnp.float32),
    )(z2, st2, aux3, a3, bias3)
    out = pl.pallas_call(
        _p4_body,
        grid=(_NBLK,),
        in_specs=[
            pl.BlockSpec((_RB, 128), lambda i: (i, 0)),
            pl.BlockSpec((8, 128), lambda i: (0, 0)),
            pl.BlockSpec((8, 128), lambda i: (0, 0)),
            pl.BlockSpec((128, 256), lambda i: (0, 0)),
            pl.BlockSpec((8, 256), lambda i: (0, 0)),
            pl.BlockSpec((8, 256), lambda i: (0, 0)),
            pl.BlockSpec((8, 256), lambda i: (0, 0)),
            pl.BlockSpec((_RB, D), lambda i: (i, 0)),
        ],
        out_specs=pl.BlockSpec((_QB, D), lambda i: (i, 0)),
        out_shape=jax.ShapeDtypeStruct((B * M, D), jnp.float32),
    )(z2, st2, aux3, a3, bias3, st3, aux4, gathered)
    return out


def _pad8(x, width):
    out = jnp.zeros((8, width), jnp.float32)
    return out.at[: x.shape[0], : x.shape[1]].set(x)


def kernel(points1, points2, features1, features2, k, n_ratio, params_a, params_b):
    points = jnp.concatenate([points1, points2], axis=-1)
    features = jnp.concatenate([features1, features2], axis=-1)
    table = jnp.concatenate([points, features], axis=1)
    table = jnp.transpose(table, (0, 2, 1))
    table = jnp.pad(table, ((0, 0), (0, 0), (0, D - 3 - C)))
    table = table.reshape(B * NN, D)

    randidx = jax.random.permutation(jax.random.key(1), NN)[:M].astype(jnp.int32)
    base_idx = jnp.concatenate([randidx + i * NN for i in range(B)])

    qrows = _sc_gather(table, _chunk_idx(base_idx))

    nn_idx = _run_topk(qrows, points)

    off = jnp.repeat(jnp.arange(B, dtype=jnp.int32) * NN, M * K)
    nbr_flat = nn_idx.reshape(-1) + off
    gathered = _sc_gather(table, _chunk_idx(nbr_flat))

    (w1a, b1a, g1a, be1a), (w2a, b2a, g2a, be2a), (w3a, b3a, g3a, be3a) = params_a
    (w1b, b1b, g1b, be1b), (w2b, b2b, g2b, be2b), (w3b, b3b, g3b, be3b) = params_b

    w1t = jnp.zeros((8, 128), jnp.float32)
    w1t = w1t.at[0:5, 0:64].set(w1a.T).at[0:5, 64:128].set(w1b.T)
    w1t = w1t.at[5, 0:64].set(b1a).at[5, 64:128].set(b1b)

    a2 = jnp.zeros((128, 128), jnp.float32)
    a2 = a2.at[0:64, 0:64].set(w2a.T).at[64:128, 64:128].set(w2b.T)
    aux2 = _pad8(jnp.stack([jnp.concatenate([g1a, g1b]),
                            jnp.concatenate([be1a, be1b])]), 128)
    bias2 = _pad8(jnp.concatenate([b2a, b2b])[None, :], 128)

    a3 = jnp.zeros((128, 256), jnp.float32)
    a3 = a3.at[0:64, 0:128].set(w3a.T).at[64:128, 128:256].set(w3b.T)
    aux3 = _pad8(jnp.stack([jnp.concatenate([g2a, g2b]),
                            jnp.concatenate([be2a, be2b])]), 128)
    bias3 = _pad8(jnp.concatenate([b3a, b3b])[None, :], 256)

    aux4 = jnp.zeros((8, 256), jnp.float32)
    aux4 = aux4.at[0, 0:128].set(g3a).at[0, 128:256].set(g3b)
    aux4 = aux4.at[1, 0:128].set(be3a).at[1, 128:256].set(be3b)

    out = _run_mlp(gathered, qrows, w1t, a2, aux2, bias2,
                   a3, aux3, bias3, aux4)
    out = out.reshape(B, M, D)[:, :, : 3 + C]
    return jnp.transpose(out, (0, 2, 1))

# --- scband reference (transcript-rebuilt; emitter-appended) ---
"""Pipeline reference for scband-points-fusion-60945585931017 (READ-ONLY COPY).

The authoritative reference and input builder live on the scoring server;
editing this copy changes nothing except your own understanding.
"""

import jax, jax.numpy as jnp
import numpy as np


def _conv_bn_relu(x, w, b, g, be):
    # 1x1 Conv2d: x [B, Cin, M, K] -> [B, Cout, M, K]
    x = jnp.einsum('oi,bimk->bomk', w, x) + b[None, :, None, None]
    # BatchNorm2d(track_running_stats=False): always batch statistics
    mean = jnp.mean(x, axis=(0, 2, 3), keepdims=True)
    var = jnp.var(x, axis=(0, 2, 3), keepdims=True)
    x = (x - mean) / jnp.sqrt(var + 1e-5)
    x = x * g[None, :, None, None] + be[None, :, None, None]
    return jax.nn.relu(x)


def _gather(data, idx):
    # data [B, Nn, D], idx [B, M, K] -> [B, M, K, D]  (knn_gather)
    return jax.vmap(lambda d, i: d[i])(data, idx)


def _pointsfusion_forward(points1, points2, features1, features2, k, n_ratio, params_a, params_b):
    points = jnp.concatenate([points1, points2], axis=-1)      # [B, 3, 2N]
    features = jnp.concatenate([features1, features2], axis=-1)  # [B, C, 2N]
    nn_total = points.shape[-1]
    M = (nn_total * 1) // 2
    dep = (jnp.asarray(k) * 0 + jnp.asarray(n_ratio) * 0).astype(points.dtype)
    # torch.randperm -> deterministic permutation with fixed key
    randidx = jax.random.permutation(jax.random.key(1), nn_total)[:M]
    basepoints = points[:, :, randidx]
    basefeatures = features[:, :, randidx]
    # knn_group
    p1 = jnp.transpose(basepoints, (0, 2, 1))   # [B, M, 3]
    p2 = jnp.transpose(points, (0, 2, 1))       # [B, Nn, 3]
    f1 = jnp.transpose(basefeatures, (0, 2, 1))  # [B, M, C]
    # squared distances without materializing [B, M, Nn, 3]
    sq = (jnp.sum(p1 ** 2, axis=-1)[:, :, None]
          + jnp.sum(p2 ** 2, axis=-1)[:, None, :]
          - 2.0 * jnp.einsum('bmd,bnd->bmn', p1, p2))
    _, nn_idx = jax.lax.top_k(-sq, 16)           # knn_points (ascending dist)
    nn_pts = _gather(p2, nn_idx)                 # [B, M, K, 3]
    grouped_features = _gather(jnp.transpose(features, (0, 2, 1)), nn_idx)  # [B, M, K, C]
    points_resi = nn_pts - p1[:, :, None, :]
    grouped_dist = jnp.linalg.norm(points_resi, axis=-1, keepdims=True)
    f1k = jnp.broadcast_to(f1[:, :, None, :], grouped_features.shape)
    features_resi = jnp.sum(f1k * grouped_features, axis=-1)[..., None]
    new_features = jnp.concatenate([points_resi, grouped_dist, features_resi], axis=-1)
    new_features = jnp.transpose(new_features, (0, 3, 1, 2))          # [B, 5, M, K]
    new_grouped_points = jnp.transpose(nn_pts, (0, 3, 1, 2))          # [B, 3, M, K]
    new_grouped_features = jnp.transpose(grouped_features, (0, 3, 1, 2))  # [B, C, M, K]
    # conv stack -> point weights
    x = new_features
    for (w, b, g, be) in params_a:
        x = _conv_bn_relu(x, w, b, g, be)
    x = jnp.max(x, axis=1)
    weights = jax.nn.softmax(x, axis=-1)        # [B, M, K]
    # conv_1 stack -> feature weights
    x1 = new_features
    for (w, b, g, be) in params_b:
        x1 = _conv_bn_relu(x1, w, b, g, be)
    x1 = jnp.max(x1, axis=1)
    weights_1 = jax.nn.softmax(x1, axis=-1)     # [B, M, K]
    fused_points = jnp.sum(weights[:, None, :, :] * new_grouped_points, axis=-1)       # [B, 3, M]
    fused_features = jnp.sum(weights_1[:, None, :, :] * new_grouped_features, axis=-1)  # [B, C, M]
    return jnp.concatenate([fused_points, fused_features], axis=1) + dep   # [B, 3+C, M]


def setup_inputs(seed: int = 0):
    key = jax.random.key(seed)
    ks = jax.random.split(key, 40)
    B, N, C = 2, 4096, 64
    points1 = jax.random.normal(ks[0], (B, 3, N), dtype=jnp.float32)
    points2 = jax.random.normal(ks[1], (B, 3, N), dtype=jnp.float32)
    features1 = jax.random.normal(ks[2], (B, C, N), dtype=jnp.float32)
    features2 = jax.random.normal(ks[3], (B, C, N), dtype=jnp.float32)
    dims = [5, 64, 64, 128]
    def make_stack(koff):
        layers = []
        for i in range(1, len(dims)):
            w = jax.random.normal(ks[koff + (i - 1)], (dims[i], dims[i - 1]), dtype=jnp.float32) * 0.1
            b = jnp.zeros((dims[i],), dtype=jnp.float32)
            g = jnp.ones((dims[i],), dtype=jnp.float32)
            be = jnp.zeros((dims[i],), dtype=jnp.float32)
            layers.append((w, b, g, be))
        return tuple(layers)
    params_a = make_stack(4)
    params_b = make_stack(10)
    return {"points1": points1, "points2": points2, "features1": features1, "features2": features2, "k": 16, "n_ratio": 1, "params_a": params_a, "params_b": params_b}


def reference(points1, points2, features1, features2, k, n_ratio, params_a, params_b):
    return _pointsfusion_forward(points1, points2, features1, features2, k, n_ratio, params_a, params_b)

if __name__ == "__main__":
    import jax
    _d = setup_inputs()
    print(jax.jit(kernel)(*tuple(_d.values())))

</pallas_src>

<mosaic_0001>
#map = affine_map<(d0, d1) -> (0, 0)>
#map1 = affine_map<(d0, d1) -> (0, 0, 0)>
module attributes {stable_mosaic.version = 14 : i64} {
  func.func @k(%arg0: i32, %arg1: i32, %arg2: memref<16384x128xf32, #tpu.memory_space<hbm>>, %arg3: memref<32x32x128xi32, #tpu.memory_space<hbm>>, %arg4: memref<131072x128xf32, #tpu.memory_space<hbm>>, %arg5: memref<32x128xi32, #tpu.memory_space<vmem>>, %arg6: memref<128x128xf32, #tpu.memory_space<vmem>>, %arg7: memref<!tpu.dma_semaphore, #tpu.memory_space<semaphore_mem>>) attributes {dimension_semantics = [#tpu.dimension_semantics<core_parallel>, #tpu.dimension_semantics<subcore_parallel>], iteration_bounds = array<i64: 2, 16>, scalar_prefetch = 0 : i64, scratch_operands = 3 : i64, tpu.core_type = #tpu.core_type<sc_vector_subcore>, window_params = [{transform_indices = #map}, {transform_indices = #map1}, {transform_indices = #map}]} {
    %mul3A = arith.constant 2 : i32
    %mul3A_0 = arith.muli %arg1, %mul3A : i32
    %add3A = arith.addi %mul3A_0, %arg0 : i32
    "tpu.region"() ({
      %run_scoped3A = tpu.sem_alloc : memref<!tpu.dma_semaphore, #tpu.memory_space<semaphore_mem>>
      %dma_start3A = arith.constant 0 : i32
      %dma_start3A_5 = arith.constant 0 : i32
      %dma_start3A_6 = tpu.memref_slice %arg3[%add3A, %dma_start3A, %dma_start3A_5] : memref<32x32x128xi32, #tpu.memory_space<hbm>> -> memref<1x32x128xi32, #tpu.memory_space<hbm>>
      %dma_start3A_7 = tpu.memref_squeeze %dma_start3A_6 : memref<1x32x128xi32, #tpu.memory_space<hbm>> -> memref<32x128xi32, #tpu.memory_space<hbm>>
      %dma_start3A_8 = arith.constant 0 : i32
      %dma_start3A_9 = arith.constant 0 : i32
      %dma_start3A_10 = tpu.memref_slice %arg3[%add3A, %dma_start3A_8, %dma_start3A_9] : memref<32x32x128xi32, #tpu.memory_space<hbm>> -> memref<1x32x128xi32, #tpu.memory_space<hbm>>
      %dma_start3A_11 = tpu.memref_squeeze %dma_start3A_10 : memref<1x32x128xi32, #tpu.memory_space<hbm>> -> memref<32x128xi32, #tpu.memory_space<hbm>>
      tpu.enqueue_dma source(%dma_start3A_11 : memref<32x128xi32, #tpu.memory_space<hbm>>) target(%arg5 : memref<32x128xi32, #tpu.memory_space<vmem>>) target_semaphore(%run_scoped3A : memref<!tpu.dma_semaphore, #tpu.memory_space<semaphore_mem>>)
      %dma_wait3A = arith.constant 0 : i32
      %dma_wait3A_12 = arith.constant 0 : i32
      %dma_wait3A_13 = tpu.memref_slice %arg3[%add3A, %dma_wait3A, %dma_wait3A_12] : memref<32x32x128xi32, #tpu.memory_space<hbm>> -> memref<1x32x128xi32, #tpu.memory_space<hbm>>
      %dma_wait3A_14 = tpu.memref_squeeze %dma_wait3A_13 : memref<1x32x128xi32, #tpu.memory_space<hbm>> -> memref<32x128xi32, #tpu.memory_space<hbm>>
      %dma_wait3A_15 = arith.constant 0 : i32
      %dma_wait3A_16 = arith.constant 0 : i32
      %dma_wait3A_17 = tpu.memref_slice %arg3[%add3A, %dma_wait3A_15, %dma_wait3A_16] : memref<32x32x128xi32, #tpu.memory_space<hbm>> -> memref<1x32x128xi32, #tpu.memory_space<hbm>>
      %dma_wait3A_18 = tpu.memref_squeeze %dma_wait3A_17 : memref<1x32x128xi32, #tpu.memory_space<hbm>> -> memref<32x128xi32, #tpu.memory_space<hbm>>
      tpu.wait_dma2 semaphore(%run_scoped3A : memref<!tpu.dma_semaphore, #tpu.memory_space<semaphore_mem>>) src(%dma_wait3A_18 : memref<32x128xi32, #tpu.memory_space<hbm>>) dst(%arg5 : memref<32x128xi32, #tpu.memory_space<vmem>>)
      tpu.yield
    }) : () -> ()
    %scan3A = arith.constant 0 : i32
    %scan3A_1 = arith.constant 32 : i32
    %scan3A_2 = arith.addi %scan3A, %scan3A_1 : i32
    %scan3A_3 = arith.constant 1 : i32
    scf.for %scan3A_5 = %scan3A to %scan3A_2 step %scan3A_3  : i32 {
      %dma_start3A = arith.constant 0 : i32
      %dma_start3A_6 = tpu.memref_slice %arg5[%scan3A_5, %dma_start3A] : memref<32x128xi32, #tpu.memory_space<vmem>> -> memref<1x128xi32, #tpu.memory_space<vmem>>
      %dma_start3A_7 = tpu.memref_squeeze %dma_start3A_6 : memref<1x128xi32, #tpu.memory_space<vmem>> -> memref<128xi32, #tpu.memory_space<vmem>>
      %dma_start3A_8 = arith.constant 0 : i32
      %dma_start3A_9 = arith.constant 0 : i32
      %dma_start3A_10 = tpu.memref_slice %arg2[%dma_start3A_8, %dma_start3A_9] : memref<16384x128xf32, #tpu.memory_space<hbm>> -> memref<16384x128xf32, #tpu.memory_space<hbm>>
      tpu.enqueue_indirect_dma source(%dma_start3A_10 : memref<16384x128xf32, #tpu.memory_space<hbm>>) target(%arg6 : memref<128x128xf32, #tpu.memory_space<vmem>>) offsets(%dma_start3A_7 : memref<128xi32, #tpu.memory_space<vmem>>) semaphore(%arg7 : memref<!tpu.dma_semaphore, #tpu.memory_space<semaphore_mem>>)
      %dma_wait3A = arith.constant 0 : i32
      %dma_wait3A_11 = tpu.memref_slice %arg5[%scan3A_5, %dma_wait3A] : memref<32x128xi32, #tpu.memory_space<vmem>> -> memref<1x128xi32, #tpu.memory_space<vmem>>
      %dma_wait3A_12 = tpu.memref_squeeze %dma_wait3A_11 : memref<1x128xi32, #tpu.memory_space<vmem>> -> memref<128xi32, #tpu.memory_space<vmem>>
      %dma_wait3A_13 = arith.constant 0 : i32
      %dma_wait3A_14 = arith.constant 0 : i32
      %dma_wait3A_15 = tpu.memref_slice %arg2[%dma_wait3A_13, %dma_wait3A_14] : memref<16384x128xf32, #tpu.memory_space<hbm>> -> memref<16384x128xf32, #tpu.memory_space<hbm>>
      tpu.wait_indirect_dma semaphore(%arg7 : memref<!tpu.dma_semaphore, #tpu.memory_space<semaphore_mem>>) src(%dma_wait3A_15 : memref<16384x128xf32, #tpu.memory_space<hbm>>) dst(%arg6 : memref<128x128xf32, #tpu.memory_space<vmem>>)
      %mul3A_16 = arith.constant 32 : i32
      %mul3A_17 = arith.muli %add3A, %mul3A_16 : i32
      %add3A_18 = arith.addi %mul3A_17, %scan3A_5 : i32
      %mul3A_19 = arith.constant 128 : i32
      %mul3A_20 = arith.muli %add3A_18, %mul3A_19 : i32
      "tpu.region"() ({
        %run_scoped3A = tpu.sem_alloc : memref<!tpu.dma_semaphore, #tpu.memory_space<semaphore_mem>>
        %dma_start3A_21 = arith.constant 0 : i32
        %dma_start3A_22 = tpu.memref_slice %arg4[%mul3A_20, %dma_start3A_21] : memref<131072x128xf32, #tpu.memory_space<hbm>> -> memref<128x128xf32, #tpu.memory_space<hbm>>
        %dma_start3A_23 = arith.constant 0 : i32
        %dma_start3A_24 = tpu.memref_slice %arg4[%mul3A_20, %dma_start3A_23] : memref<131072x128xf32, #tpu.memory_space<hbm>> -> memref<128x128xf32, #tpu.memory_space<hbm>>
        tpu.enqueue_dma source(%arg6 : memref<128x128xf32, #tpu.memory_space<vmem>>) target(%dma_start3A_24 : memref<128x128xf32, #tpu.memory_space<hbm>>) target_semaphore(%run_scoped3A : memref<!tpu.dma_semaphore, #tpu.memory_space<semaphore_mem>>)
        %dma_wait3A_25 = arith.constant 0 : i32
        %dma_wait3A_26 = tpu.memref_slice %arg4[%mul3A_20, %dma_wait3A_25] : memref<131072x128xf32, #tpu.memory_space<hbm>> -> memref<128x128xf32, #tpu.memory_space<hbm>>
        %dma_wait3A_27 = arith.constant 0 : i32
        %dma_wait3A_28 = tpu.memref_slice %arg4[%mul3A_20, %dma_wait3A_27] : memref<131072x128xf32, #tpu.memory_space<hbm>> -> memref<128x128xf32, #tpu.memory_space<hbm>>
        tpu.wait_dma2 semaphore(%run_scoped3A : memref<!tpu.dma_semaphore, #tpu.memory_space<semaphore_mem>>) src(%arg6 : memref<128x128xf32, #tpu.memory_space<vmem>>) dst(%dma_wait3A_28 : memref<128x128xf32, #tpu.memory_space<hbm>>)
        tpu.yield
      }) : () -> ()
    }
    %scan3A_4 = arith.constant 32 : i32
    return
  }
}

#map = affine_map<(d0, d1) -> (0, 0)>
#map1 = affine_map<(d0, d1) -> (0, 0, 0)>
module attributes {stable_mosaic.version = 14 : i64} {
  func.func @k(%arg0: i32, %arg1: i32, %arg2: memref<16384x128xf32, #tpu.memory_space<hbm>>, %arg3: memref<32x2x128xi32, #tpu.memory_space<hbm>>, %arg4: memref<8192x128xf32, #tpu.memory_space<hbm>>, %arg5: memref<2x128xi32, #tpu.memory_space<vmem>>, %arg6: memref<128x128xf32, #tpu.memory_space<vmem>>, %arg7: memref<!tpu.dma_semaphore, #tpu.memory_space<semaphore_mem>>) attributes {dimension_semantics = [#tpu.dimension_semantics<core_parallel>, #tpu.dimension_semantics<subcore_parallel>], iteration_bounds = array<i64: 2, 16>, scalar_prefetch = 0 : i64, scratch_operands = 3 : i64, tpu.core_type = #tpu.core_type<sc_vector_subcore>, window_params = [{transform_indices = #map}, {transform_indices = #map1}, {transform_indices = #map}]} {
    %mul3A = arith.constant 2 : i32
    %mul3A_0 = arith.muli %arg1, %mul3A : i32
    %add3A = arith.addi %mul3A_0, %arg0 : i32
    "tpu.region"() ({
      %run_scoped3A = tpu.sem_alloc : memref<!tpu.dma_semaphore, #tpu.memory_space<semaphore_mem>>
      %dma_start3A = arith.constant 0 : i32
      %dma_start3A_5 = arith.constant 0 : i32
      %dma_start3A_6 = tpu.memref_slice %arg3[%add3A, %dma_start3A, %dma_start3A_5] : memref<32x2x128xi32, #tpu.memory_space<hbm>> -> memref<1x2x128xi32, #tpu.memory_space<hbm>>
      %dma_start3A_7 = tpu.memref_squeeze %dma_start3A_6 : memref<1x2x128xi32, #tpu.memory_space<hbm>> -> memref<2x128xi32, #tpu.memory_space<hbm>>
      %dma_start3A_8 = arith.constant 0 : i32
      %dma_start3A_9 = arith.constant 0 : i32
      %dma_start3A_10 = tpu.memref_slice %arg3[%add3A, %dma_start3A_8, %dma_start3A_9] : memref<32x2x128xi32, #tpu.memory_space<hbm>> -> memref<1x2x128xi32, #tpu.memory_space<hbm>>
      %dma_start3A_11 = tpu.memref_squeeze %dma_start3A_10 : memref<1x2x128xi32, #tpu.memory_space<hbm>> -> memref<2x128xi32, #tpu.memory_space<hbm>>
      tpu.enqueue_dma source(%dma_start3A_11 : memref<2x128xi32, #tpu.memory_space<hbm>>) target(%arg5 : memref<2x128xi32, #tpu.memory_space<vmem>>) target_semaphore(%run_scoped3A : memref<!tpu.dma_semaphore, #tpu.memory_space<semaphore_mem>>)
      %dma_wait3A = arith.constant 0 : i32
      %dma_wait3A_12 = arith.constant 0 : i32
      %dma_wait3A_13 = tpu.memref_slice %arg3[%add3A, %dma_wait3A, %dma_wait3A_12] : memref<32x2x128xi32, #tpu.memory_space<hbm>> -> memref<1x2x128xi32, #tpu.memory_space<hbm>>
      %dma_wait3A_14 = tpu.memref_squeeze %dma_wait3A_13 : memref<1x2x128xi32, #tpu.memory_space<hbm>> -> memref<2x128xi32, #tpu.memory_space<hbm>>
      %dma_wait3A_15 = arith.constant 0 : i32
      %dma_wait3A_16 = arith.constant 0 : i32
      %dma_wait3A_17 = tpu.memref_slice %arg3[%add3A, %dma_wait3A_15, %dma_wait3A_16] : memref<32x2x128xi32, #tpu.memory_space<hbm>> -> memref<1x2x128xi32, #tpu.memory_space<hbm>>
      %dma_wait3A_18 = tpu.memref_squeeze %dma_wait3A_17 : memref<1x2x128xi32, #tpu.memory_space<hbm>> -> memref<2x128xi32, #tpu.memory_space<hbm>>
      tpu.wait_dma2 semaphore(%run_scoped3A : memref<!tpu.dma_semaphore, #tpu.memory_space<semaphore_mem>>) src(%dma_wait3A_18 : memref<2x128xi32, #tpu.memory_space<hbm>>) dst(%arg5 : memref<2x128xi32, #tpu.memory_space<vmem>>)
      tpu.yield
    }) : () -> ()
    %scan3A = arith.constant 0 : i32
    %scan3A_1 = arith.constant 2 : i32
    %scan3A_2 = arith.addi %scan3A, %scan3A_1 : i32
    %scan3A_3 = arith.constant 1 : i32
    scf.for %scan3A_5 = %scan3A to %scan3A_2 step %scan3A_3  : i32 {
      %dma_start3A = arith.constant 0 : i32
      %dma_start3A_6 = tpu.memref_slice %arg5[%scan3A_5, %dma_start3A] : memref<2x128xi32, #tpu.memory_space<vmem>> -> memref<1x128xi32, #tpu.memory_space<vmem>>
      %dma_start3A_7 = tpu.memref_squeeze %dma_start3A_6 : memref<1x128xi32, #tpu.memory_space<vmem>> -> memref<128xi32, #tpu.memory_space<vmem>>
      %dma_start3A_8 = arith.constant 0 : i32
      %dma_start3A_9 = arith.constant 0 : i32
      %dma_start3A_10 = tpu.memref_slice %arg2[%dma_start3A_8, %dma_start3A_9] : memref<16384x128xf32, #tpu.memory_space<hbm>> -> memref<16384x128xf32, #tpu.memory_space<hbm>>
      tpu.enqueue_indirect_dma source(%dma_start3A_10 : memref<16384x128xf32, #tpu.memory_space<hbm>>) target(%arg6 : memref<128x128xf32, #tpu.memory_space<vmem>>) offsets(%dma_start3A_7 : memref<128xi32, #tpu.memory_space<vmem>>) semaphore(%arg7 : memref<!tpu.dma_semaphore, #tpu.memory_space<semaphore_mem>>)
      %dma_wait3A = arith.constant 0 : i32
      %dma_wait3A_11 = tpu.memref_slice %arg5[%scan3A_5, %dma_wait3A] : memref<2x128xi32, #tpu.memory_space<vmem>> -> memref<1x128xi32, #tpu.memory_space<vmem>>
      %dma_wait3A_12 = tpu.memref_squeeze %dma_wait3A_11 : memref<1x128xi32, #tpu.memory_space<vmem>> -> memref<128xi32, #tpu.memory_space<vmem>>
      %dma_wait3A_13 = arith.constant 0 : i32
      %dma_wait3A_14 = arith.constant 0 : i32
      %dma_wait3A_15 = tpu.memref_slice %arg2[%dma_wait3A_13, %dma_wait3A_14] : memref<16384x128xf32, #tpu.memory_space<hbm>> -> memref<16384x128xf32, #tpu.memory_space<hbm>>
      tpu.wait_indirect_dma semaphore(%arg7 : memref<!tpu.dma_semaphore, #tpu.memory_space<semaphore_mem>>) src(%dma_wait3A_15 : memref<16384x128xf32, #tpu.memory_space<hbm>>) dst(%arg6 : memref<128x128xf32, #tpu.memory_space<vmem>>)
      %mul3A_16 = arith.constant 2 : i32
      %mul3A_17 = arith.muli %add3A, %mul3A_16 : i32
      %add3A_18 = arith.addi %mul3A_17, %scan3A_5 : i32
      %mul3A_19 = arith.constant 128 : i32
      %mul3A_20 = arith.muli %add3A_18, %mul3A_19 : i32
      "tpu.region"() ({
        %run_scoped3A = tpu.sem_alloc : memref<!tpu.dma_semaphore, #tpu.memory_space<semaphore_mem>>
        %dma_start3A_21 = arith.constant 0 : i32
        %dma_start3A_22 = tpu.memref_slice %arg4[%mul3A_20, %dma_start3A_21] : memref<8192x128xf32, #tpu.memory_space<hbm>> -> memref<128x128xf32, #tpu.memory_space<hbm>>
        %dma_start3A_23 = arith.constant 0 : i32
        %dma_start3A_24 = tpu.memref_slice %arg4[%mul3A_20, %dma_start3A_23] : memref<8192x128xf32, #tpu.memory_space<hbm>> -> memref<128x128xf32, #tpu.memory_space<hbm>>
        tpu.enqueue_dma source(%arg6 : memref<128x128xf32, #tpu.memory_space<vmem>>) target(%dma_start3A_24 : memref<128x128xf32, #tpu.memory_space<hbm>>) target_semaphore(%run_scoped3A : memref<!tpu.dma_semaphore, #tpu.memory_space<semaphore_mem>>)
        %dma_wait3A_25 = arith.constant 0 : i32
        %dma_wait3A_26 = tpu.memref_slice %arg4[%mul3A_20, %dma_wait3A_25] : memref<8192x128xf32, #tpu.memory_space<hbm>> -> memref<128x128xf32, #tpu.memory_space<hbm>>
        %dma_wait3A_27 = arith.constant 0 : i32
        %dma_wait3A_28 = tpu.memref_slice %arg4[%mul3A_20, %dma_wait3A_27] : memref<8192x128xf32, #tpu.memory_space<hbm>> -> memref<128x128xf32, #tpu.memory_space<hbm>>
        tpu.wait_dma2 semaphore(%run_scoped3A : memref<!tpu.dma_semaphore, #tpu.memory_space<semaphore_mem>>) src(%arg6 : memref<128x128xf32, #tpu.memory_space<vmem>>) dst(%dma_wait3A_28 : memref<128x128xf32, #tpu.memory_space<hbm>>)
        tpu.yield
      }) : () -> ()
    }
    %scan3A_4 = arith.constant 2 : i32
    return
  }
}

module attributes {stable_mosaic.version = 14 : i64} {
  func.func @_topk_body(%arg0: i32, %arg1: i32, %arg2: memref<128x128xf32, #tpu.memory_space<vmem>>, %arg3: memref<1x3x8192xf32, #tpu.memory_space<vmem>>, %arg4: memref<128x16xi32, #tpu.memory_space<vmem>>, %arg5: memref<128x8192xf32, #tpu.memory_space<vmem>>) attributes {dimension_semantics = [#tpu.dimension_semantics<arbitrary>, #tpu.dimension_semantics<arbitrary>], iteration_bounds = array<i64: 2, 32>, scalar_prefetch = 0 : i64, scratch_operands = 1 : i64, tpu.core_type = #tpu.core_type<tc>, window_params = [{transform_indices = @transform_0, window_bounds = array<i64: 128, 128>}, {transform_indices = @transform_1, window_bounds = array<i64: 1, 3, 8192>}, {transform_indices = @transform_2, window_bounds = array<i64: 128, 16>}]} {
    %get3A = arith.constant 0 : index
    %get3A_0 = arith.constant 0 : index
    %get3A_1 = vector.load %arg2[%get3A, %get3A_0] : memref<128x128xf32, #tpu.memory_space<vmem>>, vector<128x3xf32>
    %get3A_2 = arith.constant 0 : index
    %get3A_3 = arith.constant 0 : index
    %get3A_4 = arith.constant 0 : index
    %get3A_5 = vector.load %arg3[%get3A_2, %get3A_3, %get3A_4] : memref<1x3x8192xf32, #tpu.memory_space<vmem>>, vector<1x3x8192xf32>
    %get3A_6 = vector.shape_cast %get3A_5 : vector<1x3x8192xf32> to vector<3x8192xf32>
    %convert_element_type3A = arith.truncf %get3A_1 : vector<128x3xf32> to vector<128x3xbf16>
    %convert_element_type3A_7 = arith.truncf %get3A_6 : vector<3x8192xf32> to vector<3x8192xbf16>
    %dot_general3A = arith.constant dense<0.000000e+00> : vector<128x8192xf32>
    %dot_general3A_8 = tpu.matmul %convert_element_type3A, %convert_element_type3A_7, %dot_general3A {dimension_numbers = #tpu.dot_dimension_numbers<[1], [0], [0], [1], [0, 0, 1, 1], [], []>, transpose_lhs_hint = false} : vector<128x3xbf16>, vector<3x8192xbf16>, vector<128x8192xf32> -> vector<128x8192xf32>
    %mul3A = arith.mulf %get3A_6, %get3A_6 : vector<3x8192xf32>
    %reduce_sum3A = arith.constant dense<0.000000e+00> : vector<8192xf32>
    %reduce_sum3A_9 = vector.multi_reduction <add>, %mul3A, %reduce_sum3A [0] : vector<3x8192xf32> to vector<8192xf32>
    %broadcast_in_dim3A = vector.shape_cast %reduce_sum3A_9 : vector<8192xf32> to vector<1x8192xf32>
    %mul3A_10 = arith.mulf %get3A_1, %get3A_1 : vector<128x3xf32>
    %reduce_sum3A_11 = arith.constant dense<0.000000e+00> : vector<128xf32>
    %reduce_sum3A_12 = vector.multi_reduction <add>, %mul3A_10, %reduce_sum3A_11 [1] : vector<128x3xf32> to vector<128xf32>
    %broadcast_in_dim3A_13 = vector.shape_cast %reduce_sum3A_12 : vector<128xf32> to vector<128x1xf32>
    %add3A = vector.broadcast %broadcast_in_dim3A_13 : vector<128x1xf32> to vector<128x8192xf32>
    %add3A_14 = vector.broadcast %broadcast_in_dim3A : vector<1x8192xf32> to vector<128x8192xf32>
    %add3A_15 = arith.addf %add3A, %add3A_14 : vector<128x8192xf32>
    %mul3A_16 = arith.constant 2.000000e+00 : f32
    %mul3A_17 = vector.broadcast %mul3A_16 : f32 to vector<128x8192xf32>
    %mul3A_18 = arith.mulf %mul3A_17, %dot_general3A_8 : vector<128x8192xf32>
    %sub3A = arith.subf %add3A_15, %mul3A_18 : vector<128x8192xf32>
    %swap3A = arith.constant 0 : index
    %swap3A_19 = arith.constant 0 : index
    %swap3A_20 = vector.load %arg5[%swap3A, %swap3A_19] : memref<128x8192xf32, #tpu.memory_space<vmem>>, vector<128x8192xf32>
    tpu.vector_store %arg5[%swap3A, %swap3A_19], %sub3A {strides = array<i32>} : memref<128x8192xf32, #tpu.memory_space<vmem>>, vector<128x8192xf32>,
    %iota3A = tpu.iota {dimensions = array<i32: 1>} : vector<128x8192xi32>
    %convert_element_type3A_21 = arith.sitofp %iota3A : vector<128x8192xi32> to vector<128x8192xf32>
    %get3A_22 = arith.constant 0 : index
    %get3A_23 = arith.constant 0 : index
    %get3A_24 = vector.load %arg5[%get3A_22, %get3A_23] : memref<128x8192xf32, #tpu.memory_space<vmem>>, vector<128x8192xf32>
    %reduce_min3A = arith.constant dense<0x7F800000> : vector<128xf32>
    %reduce_min3A_25 = vector.multi_reduction <minimumf>, %get3A_24, %reduce_min3A [1] : vector<128x8192xf32> to vector<128xf32>
    %broadcast_in_dim3A_26 = vector.shape_cast %reduce_min3A_25 : vector<128xf32> to vector<128x1xf32>
    %eq3A = vector.broadcast %broadcast_in_dim3A_26 : vector<128x1xf32> to vector<128x8192xf32>
    %eq3A_27 = arith.cmpf oeq, %get3A_24, %eq3A : vector<128x8192xf32>
    %jit3A = arith.constant 8.192000e+03 : f32
    %broadcast_in_dim3A_28 = vector.broadcast %jit3A : f32 to vector<128x8192xf32>
    %select_n3A = arith.select %eq3A_27, %convert_element_type3A_21, %broadcast_in_dim3A_28 : vector<128x8192xi1>, vector<128x8192xf32>
    %reduce_min3A_29 = arith.constant dense<0x7F800000> : vector<128xf32>
    %reduce_min3A_30 = vector.multi_reduction <minimumf>, %select_n3A, %reduce_min3A_29 [1] : vector<128x8192xf32> to vector<128xf32>
    %broadcast_in_dim3A_31 = vector.shape_cast %reduce_min3A_30 : vector<128xf32> to vector<128x1xf32>
    %convert_element_type3A_32 = arith.fptosi %broadcast_in_dim3A_31 : vector<128x1xf32> to vector<128x1xi32>
    %eq3A_33 = vector.broadcast %broadcast_in_dim3A_31 : vector<128x1xf32> to vector<128x8192xf32>
    %eq3A_34 = arith.cmpf oeq, %convert_element_type3A_21, %eq3A_33 : vector<128x8192xf32>
    %jit3A_35 = arith.constant 0x7F800000 : f32
    %broadcast_in_dim3A_36 = vector.broadcast %jit3A_35 : f32 to vector<128x8192xf32>
    %select_n3A_37 = arith.select %eq3A_34, %broadcast_in_dim3A_36, %get3A_24 : vector<128x8192xi1>, vector<128x8192xf32>
    %reduce_min3A_38 = arith.constant dense<0x7F800000> : vector<128xf32>
    %reduce_min3A_39 = vector.multi_reduction <minimumf>, %select_n3A_37, %reduce_min3A_38 [1] : vector<128x8192xf32> to vector<128xf32>
    %broadcast_in_dim3A_40 = vector.shape_cast %reduce_min3A_39 : vector<128xf32> to vector<128x1xf32>
    %eq3A_41 = vector.broadcast %broadcast_in_dim3A_40 : vector<128x1xf32> to vector<128x8192xf32>
    %eq3A_42 = arith.cmpf oeq, %select_n3A_37, %eq3A_41 : vector<128x8192xf32>
    %jit3A_43 = arith.constant 8.192000e+03 : f32
    %broadcast_in_dim3A_44 = vector.broadcast %jit3A_43 : f32 to vector<128x8192xf32>
    %select_n3A_45 = arith.select %eq3A_42, %convert_element_type3A_21, %broadcast_in_dim3A_44 : vector<128x8192xi1>, vector<128x8192xf32>
    %reduce_min3A_46 = arith.constant dense<0x7F800000> : vector<128xf32>
    %reduce_min3A_47 = vector.multi_reduction <minimumf>, %select_n3A_45, %reduce_min3A_46 [1] : vector<128x8192xf32> to vector<128xf32>
    %broadcast_in_dim3A_48 = vector.shape_cast %reduce_min3A_47 : vector<128xf32> to vector<128x1xf32>
    %convert_element_type3A_49 = arith.fptosi %broadcast_in_dim3A_48 : vector<128x1xf32> to vector<128x1xi32>
    %eq3A_50 = vector.broadcast %broadcast_in_dim3A_48 : vector<128x1xf32> to vector<128x8192xf32>
    %eq3A_51 = arith.cmpf oeq, %convert_element_type3A_21, %eq3A_50 : vector<128x8192xf32>
    %jit3A_52 = arith.constant 0x7F800000 : f32
    %broadcast_in_dim3A_53 = vector.broadcast %jit3A_52 : f32 to vector<128x8192xf32>
    %select_n3A_54 = arith.select %eq3A_51, %broadcast_in_dim3A_53, %select_n3A_37 : vector<128x8192xi1>, vector<128x8192xf32>
    %reduce_min3A_55 = arith.constant dense<0x7F800000> : vector<128xf32>
    %reduce_min3A_56 = vector.multi_reduction <minimumf>, %select_n3A_54, %reduce_min3A_55 [1] : vector<128x8192xf32> to vector<128xf32>
    %broadcast_in_dim3A_57 = vector.shape_cast %reduce_min3A_56 : vector<128xf32> to vector<128x1xf32>
    %eq3A_58 = vector.broadcast %broadcast_in_dim3A_57 : vector<128x1xf32> to vector<128x8192xf32>
    %eq3A_59 = arith.cmpf oeq, %select_n3A_54, %eq3A_58 : vector<128x8192xf32>
    %jit3A_60 = arith.constant 8.192000e+03 : f32
    %broadcast_in_dim3A_61 = vector.broadcast %jit3A_60 : f32 to vector<128x8192xf32>
    %select_n3A_62 = arith.select %eq3A_59, %convert_element_type3A_21, %broadcast_in_dim3A_61 : vector<128x8192xi1>, vector<128x8192xf32>
    %reduce_min3A_63 = arith.constant dense<0x7F800000> : vector<128xf32>
    %reduce_min3A_64 = vector.multi_reduction <minimumf>, %select_n3A_62, %reduce_min3A_63 [1] : vector<128x8192xf32> to vector<128xf32>
    %broadcast_in_dim3A_65 = vector.shape_cast %reduce_min3A_64 : vector<128xf32> to vector<128x1xf32>
    %convert_element_type3A_66 = arith.fptosi %broadcast_in_dim3A_65 : vector<128x1xf32> to vector<128x1xi32>
    %eq3A_67 = vector.broadcast %broadcast_in_dim3A_65 : vector<128x1xf32> to vector<128x8192xf32>
    %eq3A_68 = arith.cmpf oeq, %convert_element_type3A_21, %eq3A_67 : vector<128x8192xf32>
    %jit3A_69 = arith.constant 0x7F800000 : f32
    %broadcast_in_dim3A_70 = vector.broadcast %jit3A_69 : f32 to vector<128x8192xf32>
    %select_n3A_71 = arith.select %eq3A_68, %broadcast_in_dim3A_70, %select_n3A_54 : vector<128x8192xi1>, vector<128x8192xf32>
    %reduce_min3A_72 = arith.constant dense<0x7F800000> : vector<128xf32>
    %reduce_min3A_73 = vector.multi_reduction <minimumf>, %select_n3A_71, %reduce_min3A_72 [1] : vector<128x8192xf32> to vector<128xf32>
    %broadcast_in_dim3A_74 = vector.shape_cast %reduce_min3A_73 : vector<128xf32> to vector<128x1xf32>
    %eq3A_75 = vector.broadcast %broadcast_in_dim3A_74 : vector<128x1xf32> to vector<128x8192xf32>
    %eq3A_76 = arith.cmpf oeq, %select_n3A_71, %eq3A_75 : vector<128x8192xf32>
    %jit3A_77 = arith.constant 8.192000e+03 : f32
    %broadcast_in_dim3A_78 = vector.broadcast %jit3A_77 : f32 to vector<128x8192xf32>
    %select_n3A_79 = arith.select %eq3A_76, %convert_element_type3A_21, %broadcast_in_dim3A_78 : vector<128x8192xi1>, vector<128x8192xf32>
    %reduce_min3A_80 = arith.constant dense<0x7F800000> : vector<128xf32>
    %reduce_min3A_81 = vector.multi_reduction <minimumf>, %select_n3A_79, %reduce_min3A_80 [1] : vector<128x8192xf32> to vector<128xf32>
    %broadcast_in_dim3A_82 = vector.shape_cast %reduce_min3A_81 : vector<128xf32> to vector<128x1xf32>
    %convert_element_type3A_83 = arith.fptosi %broadcast_in_dim3A_82 : vector<128x1xf32> to vector<128x1xi32>
    %eq3A_84 = vector.broadcast %broadcast_in_dim3A_82 : vector<128x1xf32> to vector<128x8192xf32>
    %eq3A_85 = arith.cmpf oeq, %convert_element_type3A_21, %eq3A_84 : vector<128x8192xf32>
    %jit3A_86 = arith.constant 0x7F800000 : f32
    %broadcast_in_dim3A_87 = vector.broadcast %jit3A_86 : f32 to vector<128x8192xf32>
    %select_n3A_88 = arith.select %eq3A_85, %broadcast_in_dim3A_87, %select_n3A_71 : vector<128x8192xi1>, vector<128x8192xf32>
    %reduce_min3A_89 = arith.constant dense<0x7F800000> : vector<128xf32>
    %reduce_min3A_90 = vector.multi_reduction <minimumf>, %select_n3A_88, %reduce_min3A_89 [1] : vector<128x8192xf32> to vector<128xf32>
    %broadcast_in_dim3A_91 = vector.shape_cast %reduce_min3A_90 : vector<128xf32> to vector<128x1xf32>
    %eq3A_92 = vector.broadcast %broadcast_in_dim3A_91 : vector<128x1xf32> to vector<128x8192xf32>
    %eq3A_93 = arith.cmpf oeq, %select_n3A_88, %eq3A_92 : vector<128x8192xf32>
    %jit3A_94 = arith.constant 8.192000e+03 : f32
    %broadcast_in_dim3A_95 = vector.broadcast %jit3A_94 : f32 to vector<128x8192xf32>
    %select_n3A_96 = arith.select %eq3A_93, %convert_element_type3A_21, %broadcast_in_dim3A_95 : vector<128x8192xi1>, vector<128x8192xf32>
    %reduce_min3A_97 = arith.constant dense<0x7F800000> : vector<128xf32>
    %reduce_min3A_98 = vector.multi_reduction <minimumf>, %select_n3A_96, %reduce_min3A_97 [1] : vector<128x8192xf32> to vector<128xf32>
    %broadcast_in_dim3A_99 = vector.shape_cast %reduce_min3A_98 : vector<128xf32> to vector<128x1xf32>
    %convert_element_type3A_100 = arith.fptosi %broadcast_in_dim3A_99 : vector<128x1xf32> to vector<128x1xi32>
    %eq3A_101 = vector.broadcast %broadcast_in_dim3A_99 : vector<128x1xf32> to vector<128x8192xf32>
    %eq3A_102 = arith.cmpf oeq, %convert_element_type3A_21, %eq3A_101 : vector<128x8192xf32>
    %jit3A_103 = arith.constant 0x7F800000 : f32
    %broadcast_in_dim3A_104 = vector.broadcast %jit3A_103 : f32 to vector<128x8192xf32>
    %select_n3A_105 = arith.select %eq3A_102, %broadcast_in_dim3A_104, %select_n3A_88 : vector<128x8192xi1>, vector<128x8192xf32>
    %reduce_min3A_106 = arith.constant dense<0x7F800000> : vector<128xf32>
    %reduce_min3A_107 = vector.multi_reduction <minimumf>, %select_n3A_105, %reduce_min3A_106 [1] : vector<128x8192xf32> to vector<128xf32>
    %broadcast_in_dim3A_108 = vector.shape_cast %reduce_min3A_107 : vector<128xf32> to vector<128x1xf32>
    %eq3A_109 = vector.broadcast %broadcast_in_dim3A_108 : vector<128x1xf32> to vector<128x8192xf32>
    %eq3A_110 = arith.cmpf oeq, %select_n3A_105, %eq3A_109 : vector<128x8192xf32>
    %jit3A_111 = arith.constant 8.192000e+03 : f32
    %broadcast_in_dim3A_112 = vector.broadcast %jit3A_111 : f32 to vector<128x8192xf32>
    %select_n3A_113 = arith.select %eq3A_110, %convert_element_type3A_21, %broadcast_in_dim3A_112 : vector<128x8192xi1>, vector<128x8192xf32>
    %reduce_min3A_114 = arith.constant dense<0x7F800000> : vector<128xf32>
    %reduce_min3A_115 = vector.multi_reduction <minimumf>, %select_n3A_113, %reduce_min3A_114 [1] : vector<128x8192xf32> to vector<128xf32>
    %broadcast_in_dim3A_116 = vector.shape_cast %reduce_min3A_115 : vector<128xf32> to vector<128x1xf32>
    %convert_element_type3A_117 = arith.fptosi %broadcast_in_dim3A_116 : vector<128x1xf32> to vector<128x1xi32>
    %eq3A_118 = vector.broadcast %broadcast_in_dim3A_116 : vector<128x1xf32> to vector<128x8192xf32>
    %eq3A_119 = arith.cmpf oeq, %convert_element_type3A_21, %eq3A_118 : vector<128x8192xf32>
    %jit3A_120 = arith.constant 0x7F800000 : f32
    %broadcast_in_dim3A_121 = vector.broadcast %jit3A_120 : f32 to vector<128x8192xf32>
    %select_n3A_122 = arith.select %eq3A_119, %broadcast_in_dim3A_121, %select_n3A_105 : vector<128x8192xi1>, vector<128x8192xf32>
    %reduce_min3A_123 = arith.constant dense<0x7F800000> : vector<128xf32>
    %reduce_min3A_124 = vector.multi_reduction <minimumf>, %select_n3A_122, %reduce_min3A_123 [1] : vector<128x8192xf32> to vector<128xf32>
    %broadcast_in_dim3A_125 = vector.shape_cast %reduce_min3A_124 : vector<128xf32> to vector<128x1xf32>
    %eq3A_126 = vector.broadcast %broadcast_in_dim3A_125 : vector<128x1xf32> to vector<128x8192xf32>
    %eq3A_127 = arith.cmpf oeq, %select_n3A_122, %eq3A_126 : vector<128x8192xf32>
    %jit3A_128 = arith.constant 8.192000e+03 : f32
    %broadcast_in_dim3A_129 = vector.broadcast %jit3A_128 : f32 to vector<128x8192xf32>
    %select_n3A_130 = arith.select %eq3A_127, %convert_element_type3A_21, %broadcast_in_dim3A_129 : vector<128x8192xi1>, vector<128x8192xf32>
    %reduce_min3A_131 = arith.constant dense<0x7F800000> : vector<128xf32>
    %reduce_min3A_132 = vector.multi_reduction <minimumf>, %select_n3A_130, %reduce_min3A_131 [1] : vector<128x8192xf32> to vector<128xf32>
    %broadcast_in_dim3A_133 = vector.shape_cast %reduce_min3A_132 : vector<128xf32> to vector<128x1xf32>
    %convert_element_type3A_134 = arith.fptosi %broadcast_in_dim3A_133 : vector<128x1xf32> to vector<128x1xi32>
    %eq3A_135 = vector.broadcast %broadcast_in_dim3A_133 : vector<128x1xf32> to vector<128x8192xf32>
    %eq3A_136 = arith.cmpf oeq, %convert_element_type3A_21, %eq3A_135 : vector<128x8192xf32>
    %jit3A_137 = arith.constant 0x7F800000 : f32
    %broadcast_in_dim3A_138 = vector.broadcast %jit3A_137 : f32 to vector<128x8192xf32>
    %select_n3A_139 = arith.select %eq3A_136, %broadcast_in_dim3A_138, %select_n3A_122 : vector<128x8192xi1>, vector<128x8192xf32>
    %reduce_min3A_140 = arith.constant dense<0x7F800000> : vector<128xf32>
    %reduce_min3A_141 = vector.multi_reduction <minimumf>, %select_n3A_139, %reduce_min3A_140 [1] : vector<128x8192xf32> to vector<128xf32>
    %broadcast_in_dim3A_142 = vector.shape_cast %reduce_min3A_141 : vector<128xf32> to vector<128x1xf32>
    %eq3A_143 = vector.broadcast %broadcast_in_dim3A_142 : vector<128x1xf32> to vector<128x8192xf32>
    %eq3A_144 = arith.cmpf oeq, %select_n3A_139, %eq3A_143 : vector<128x8192xf32>
    %jit3A_145 = arith.constant 8.192000e+03 : f32
    %broadcast_in_dim3A_146 = vector.broadcast %jit3A_145 : f32 to vector<128x8192xf32>
    %select_n3A_147 = arith.select %eq3A_144, %convert_element_type3A_21, %broadcast_in_dim3A_146 : vector<128x8192xi1>, vector<128x8192xf32>
    %reduce_min3A_148 = arith.constant dense<0x7F800000> : vector<128xf32>
    %reduce_min3A_149 = vector.multi_reduction <minimumf>, %select_n3A_147, %reduce_min3A_148 [1] : vector<128x8192xf32> to vector<128xf32>
    %broadcast_in_dim3A_150 = vector.shape_cast %reduce_min3A_149 : vector<128xf32> to vector<128x1xf32>
    %convert_element_type3A_151 = arith.fptosi %broadcast_in_dim3A_150 : vector<128x1xf32> to vector<128x1xi32>
    %eq3A_152 = vector.broadcast %broadcast_in_dim3A_150 : vector<128x1xf32> to vector<128x8192xf32>
    %eq3A_153 = arith.cmpf oeq, %convert_element_type3A_21, %eq3A_152 : vector<128x8192xf32>
    %jit3A_154 = arith.constant 0x7F800000 : f32
    %broadcast_in_dim3A_155 = vector.broadcast %jit3A_154 : f32 to vector<128x8192xf32>
    %select_n3A_156 = arith.select %eq3A_153, %broadcast_in_dim3A_155, %select_n3A_139 : vector<128x8192xi1>, vector<128x8192xf32>
    %reduce_min3A_157 = arith.constant dense<0x7F800000> : vector<128xf32>
    %reduce_min3A_158 = vector.multi_reduction <minimumf>, %select_n3A_156, %reduce_min3A_157 [1] : vector<128x8192xf32> to vector<128xf32>
    %broadcast_in_dim3A_159 = vector.shape_cast %reduce_min3A_158 : vector<128xf32> to vector<128x1xf32>
    %eq3A_160 = vector.broadcast %broadcast_in_dim3A_159 : vector<128x1xf32> to vector<128x8192xf32>
    %eq3A_161 = arith.cmpf oeq, %select_n3A_156, %eq3A_160 : vector<128x8192xf32>
    %jit3A_162 = arith.constant 8.192000e+03 : f32
    %broadcast_in_dim3A_163 = vector.broadcast %jit3A_162 : f32 to vector<128x8192xf32>
    %select_n3A_164 = arith.select %eq3A_161, %convert_element_type3A_21, %broadcast_in_dim3A_163 : vector<128x8192xi1>, vector<128x8192xf32>
    %reduce_min3A_165 = arith.constant dense<0x7F800000> : vector<128xf32>
    %reduce_min3A_166 = vector.multi_reduction <minimumf>, %select_n3A_164, %reduce_min3A_165 [1] : vector<128x8192xf32> to vector<128xf32>
    %broadcast_in_dim3A_167 = vector.shape_cast %reduce_min3A_166 : vector<128xf32> to vector<128x1xf32>
    %convert_element_type3A_168 = arith.fptosi %broadcast_in_dim3A_167 : vector<128x1xf32> to vector<128x1xi32>
    %eq3A_169 = vector.broadcast %broadcast_in_dim3A_167 : vector<128x1xf32> to vector<128x8192xf32>
    %eq3A_170 = arith.cmpf oeq, %convert_element_type3A_21, %eq3A_169 : vector<128x8192xf32>
    %jit3A_171 = arith.constant 0x7F800000 : f32
    %broadcast_in_dim3A_172 = vector.broadcast %jit3A_171 : f32 to vector<128x8192xf32>
    %select_n3A_173 = arith.select %eq3A_170, %broadcast_in_dim3A_172, %select_n3A_156 : vector<128x8192xi1>, vector<128x8192xf32>
    %reduce_min3A_174 = arith.constant dense<0x7F800000> : vector<128xf32>
    %reduce_min3A_175 = vector.multi_reduction <minimumf>, %select_n3A_173, %reduce_min3A_174 [1] : vector<128x8192xf32> to vector<128xf32>
    %broadcast_in_dim3A_176 = vector.shape_cast %reduce_min3A_175 : vector<128xf32> to vector<128x1xf32>
    %eq3A_177 = vector.broadcast %broadcast_in_dim3A_176 : vector<128x1xf32> to vector<128x8192xf32>
    %eq3A_178 = arith.cmpf oeq, %select_n3A_173, %eq3A_177 : vector<128x8192xf32>
    %jit3A_179 = arith.constant 8.192000e+03 : f32
    %broadcast_in_dim3A_180 = vector.broadcast %jit3A_179 : f32 to vector<128x8192xf32>
    %select_n3A_181 = arith.select %eq3A_178, %convert_element_type3A_21, %broadcast_in_dim3A_180 : vector<128x8192xi1>, vector<128x8192xf32>
    %reduce_min3A_182 = arith.constant dense<0x7F800000> : vector<128xf32>
    %reduce_min3A_183 = vector.multi_reduction <minimumf>, %select_n3A_181, %reduce_min3A_182 [1] : vector<128x8192xf32> to vector<128xf32>
    %broadcast_in_dim3A_184 = vector.shape_cast %reduce_min3A_183 : vector<128xf32> to vector<128x1xf32>
    %convert_element_type3A_185 = arith.fptosi %broadcast_in_dim3A_184 : vector<128x1xf32> to vector<128x1xi32>
    %eq3A_186 = vector.broadcast %broadcast_in_dim3A_184 : vector<128x1xf32> to vector<128x8192xf32>
    %eq3A_187 = arith.cmpf oeq, %convert_element_type3A_21, %eq3A_186 : vector<128x8192xf32>
    %jit3A_188 = arith.constant 0x7F800000 : f32
    %broadcast_in_dim3A_189 = vector.broadcast %jit3A_188 : f32 to vector<128x8192xf32>
    %select_n3A_190 = arith.select %eq3A_187, %broadcast_in_dim3A_189, %select_n3A_173 : vector<128x8192xi1>, vector<128x8192xf32>
    %reduce_min3A_191 = arith.constant dense<0x7F800000> : vector<128xf32>
    %reduce_min3A_192 = vector.multi_reduction <minimumf>, %select_n3A_190, %reduce_min3A_191 [1] : vector<128x8192xf32> to vector<128xf32>
    %broadcast_in_dim3A_193 = vector.shape_cast %reduce_min3A_192 : vector<128xf32> to vector<128x1xf32>
    %eq3A_194 = vector.broadcast %broadcast_in_dim3A_193 : vector<128x1xf32> to vector<128x8192xf32>
    %eq3A_195 = arith.cmpf oeq, %select_n3A_190, %eq3A_194 : vector<128x8192xf32>
    %jit3A_196 = arith.constant 8.192000e+03 : f32
    %broadcast_in_dim3A_197 = vector.broadcast %jit3A_196 : f32 to vector<128x8192xf32>
    %select_n3A_198 = arith.select %eq3A_195, %convert_element_type3A_21, %broadcast_in_dim3A_197 : vector<128x8192xi1>, vector<128x8192xf32>
    %reduce_min3A_199 = arith.constant dense<0x7F800000> : vector<128xf32>
    %reduce_min3A_200 = vector.multi_reduction <minimumf>, %select_n3A_198, %reduce_min3A_199 [1] : vector<128x8192xf32> to vector<128xf32>
    %broadcast_in_dim3A_201 = vector.shape_cast %reduce_min3A_200 : vector<128xf32> to vector<128x1xf32>
    %convert_element_type3A_202 = arith.fptosi %broadcast_in_dim3A_201 : vector<128x1xf32> to vector<128x1xi32>
    %eq3A_203 = vector.broadcast %broadcast_in_dim3A_201 : vector<128x1xf32> to vector<128x8192xf32>
    %eq3A_204 = arith.cmpf oeq, %convert_element_type3A_21, %eq3A_203 : vector<128x8192xf32>
    %jit3A_205 = arith.constant 0x7F800000 : f32
    %broadcast_in_dim3A_206 = vector.broadcast %jit3A_205 : f32 to vector<128x8192xf32>
    %select_n3A_207 = arith.select %eq3A_204, %broadcast_in_dim3A_206, %select_n3A_190 : vector<128x8192xi1>, vector<128x8192xf32>
    %reduce_min3A_208 = arith.constant dense<0x7F800000> : vector<128xf32>
    %reduce_min3A_209 = vector.multi_reduction <minimumf>, %select_n3A_207, %reduce_min3A_208 [1] : vector<128x8192xf32> to vector<128xf32>
    %broadcast_in_dim3A_210 = vector.shape_cast %reduce_min3A_209 : vector<128xf32> to vector<128x1xf32>
    %eq3A_211 = vector.broadcast %broadcast_in_dim3A_210 : vector<128x1xf32> to vector<128x8192xf32>
    %eq3A_212 = arith.cmpf oeq, %select_n3A_207, %eq3A_211 : vector<128x8192xf32>
    %jit3A_213 = arith.constant 8.192000e+03 : f32
    %broadcast_in_dim3A_214 = vector.broadcast %jit3A_213 : f32 to vector<128x8192xf32>
    %select_n3A_215 = arith.select %eq3A_212, %convert_element_type3A_21, %broadcast_in_dim3A_214 : vector<128x8192xi1>, vector<128x8192xf32>
    %reduce_min3A_216 = arith.constant dense<0x7F800000> : vector<128xf32>
    %reduce_min3A_217 = vector.multi_reduction <minimumf>, %select_n3A_215, %reduce_min3A_216 [1] : vector<128x8192xf32> to vector<128xf32>
    %broadcast_in_dim3A_218 = vector.shape_cast %reduce_min3A_217 : vector<128xf32> to vector<128x1xf32>
    %convert_element_type3A_219 = arith.fptosi %broadcast_in_dim3A_218 : vector<128x1xf32> to vector<128x1xi32>
    %eq3A_220 = vector.broadcast %broadcast_in_dim3A_218 : vector<128x1xf32> to vector<128x8192xf32>
    %eq3A_221 = arith.cmpf oeq, %convert_element_type3A_21, %eq3A_220 : vector<128x8192xf32>
    %jit3A_222 = arith.constant 0x7F800000 : f32
    %broadcast_in_dim3A_223 = vector.broadcast %jit3A_222 : f32 to vector<128x8192xf32>
    %select_n3A_224 = arith.select %eq3A_221, %broadcast_in_dim3A_223, %select_n3A_207 : vector<128x8192xi1>, vector<128x8192xf32>
    %reduce_min3A_225 = arith.constant dense<0x7F800000> : vector<128xf32>
    %reduce_min3A_226 = vector.multi_reduction <minimumf>, %select_n3A_224, %reduce_min3A_225 [1] : vector<128x8192xf32> to vector<128xf32>
    %broadcast_in_dim3A_227 = vector.shape_cast %reduce_min3A_226 : vector<128xf32> to vector<128x1xf32>
    %eq3A_228 = vector.broadcast %broadcast_in_dim3A_227 : vector<128x1xf32> to vector<128x8192xf32>
    %eq3A_229 = arith.cmpf oeq, %select_n3A_224, %eq3A_228 : vector<128x8192xf32>
    %jit3A_230 = arith.constant 8.192000e+03 : f32
    %broadcast_in_dim3A_231 = vector.broadcast %jit3A_230 : f32 to vector<128x8192xf32>
    %select_n3A_232 = arith.select %eq3A_229, %convert_element_type3A_21, %broadcast_in_dim3A_231 : vector<128x8192xi1>, vector<128x8192xf32>
    %reduce_min3A_233 = arith.constant dense<0x7F800000> : vector<128xf32>
    %reduce_min3A_234 = vector.multi_reduction <minimumf>, %select_n3A_232, %reduce_min3A_233 [1] : vector<128x8192xf32> to vector<128xf32>
    %broadcast_in_dim3A_235 = vector.shape_cast %reduce_min3A_234 : vector<128xf32> to vector<128x1xf32>
    %convert_element_type3A_236 = arith.fptosi %broadcast_in_dim3A_235 : vector<128x1xf32> to vector<128x1xi32>
    %eq3A_237 = vector.broadcast %broadcast_in_dim3A_235 : vector<128x1xf32> to vector<128x8192xf32>
    %eq3A_238 = arith.cmpf oeq, %convert_element_type3A_21, %eq3A_237 : vector<128x8192xf32>
    %jit3A_239 = arith.constant 0x7F800000 : f32
    %broadcast_in_dim3A_240 = vector.broadcast %jit3A_239 : f32 to vector<128x8192xf32>
    %select_n3A_241 = arith.select %eq3A_238, %broadcast_in_dim3A_240, %select_n3A_224 : vector<128x8192xi1>, vector<128x8192xf32>
    %reduce_min3A_242 = arith.constant dense<0x7F800000> : vector<128xf32>
    %reduce_min3A_243 = vector.multi_reduction <minimumf>, %select_n3A_241, %reduce_min3A_242 [1] : vector<128x8192xf32> to vector<128xf32>
    %broadcast_in_dim3A_244 = vector.shape_cast %reduce_min3A_243 : vector<128xf32> to vector<128x1xf32>
    %eq3A_245 = vector.broadcast %broadcast_in_dim3A_244 : vector<128x1xf32> to vector<128x8192xf32>
    %eq3A_246 = arith.cmpf oeq, %select_n3A_241, %eq3A_245 : vector<128x8192xf32>
    %jit3A_247 = arith.constant 8.192000e+03 : f32
    %broadcast_in_dim3A_248 = vector.broadcast %jit3A_247 : f32 to vector<128x8192xf32>
    %select_n3A_249 = arith.select %eq3A_246, %convert_element_type3A_21, %broadcast_in_dim3A_248 : vector<128x8192xi1>, vector<128x8192xf32>
    %reduce_min3A_250 = arith.constant dense<0x7F800000> : vector<128xf32>
    %reduce_min3A_251 = vector.multi_reduction <minimumf>, %select_n3A_249, %reduce_min3A_250 [1] : vector<128x8192xf32> to vector<128xf32>
    %broadcast_in_dim3A_252 = vector.shape_cast %reduce_min3A_251 : vector<128xf32> to vector<128x1xf32>
    %convert_element_type3A_253 = arith.fptosi %broadcast_in_dim3A_252 : vector<128x1xf32> to vector<128x1xi32>
    %eq3A_254 = vector.broadcast %broadcast_in_dim3A_252 : vector<128x1xf32> to vector<128x8192xf32>
    %eq3A_255 = arith.cmpf oeq, %convert_element_type3A_21, %eq3A_254 : vector<128x8192xf32>
    %jit3A_256 = arith.constant 0x7F800000 : f32
    %broadcast_in_dim3A_257 = vector.broadcast %jit3A_256 : f32 to vector<128x8192xf32>
    %select_n3A_258 = arith.select %eq3A_255, %broadcast_in_dim3A_257, %select_n3A_241 : vector<128x8192xi1>, vector<128x8192xf32>
    %reduce_min3A_259 = arith.constant dense<0x7F800000> : vector<128xf32>
    %reduce_min3A_260 = vector.multi_reduction <minimumf>, %select_n3A_258, %reduce_min3A_259 [1] : vector<128x8192xf32> to vector<128xf32>
    %broadcast_in_dim3A_261 = vector.shape_cast %reduce_min3A_260 : vector<128xf32> to vector<128x1xf32>
    %eq3A_262 = vector.broadcast %broadcast_in_dim3A_261 : vector<128x1xf32> to vector<128x8192xf32>
    %eq3A_263 = arith.cmpf oeq, %select_n3A_258, %eq3A_262 : vector<128x8192xf32>
    %jit3A_264 = arith.constant 8.192000e+03 : f32
    %broadcast_in_dim3A_265 = vector.broadcast %jit3A_264 : f32 to vector<128x8192xf32>
    %select_n3A_266 = arith.select %eq3A_263, %convert_element_type3A_21, %broadcast_in_dim3A_265 : vector<128x8192xi1>, vector<128x8192xf32>
    %reduce_min3A_267 = arith.constant dense<0x7F800000> : vector<128xf32>
    %reduce_min3A_268 = vector.multi_reduction <minimumf>, %select_n3A_266, %reduce_min3A_267 [1] : vector<128x8192xf32> to vector<128xf32>
    %broadcast_in_dim3A_269 = vector.shape_cast %reduce_min3A_268 : vector<128xf32> to vector<128x1xf32>
    %convert_element_type3A_270 = arith.fptosi %broadcast_in_dim3A_269 : vector<128x1xf32> to vector<128x1xi32>
    %eq3A_271 = vector.broadcast %broadcast_in_dim3A_269 : vector<128x1xf32> to vector<128x8192xf32>
    %eq3A_272 = arith.cmpf oeq, %convert_element_type3A_21, %eq3A_271 : vector<128x8192xf32>
    %jit3A_273 = arith.constant 0x7F800000 : f32
    %broadcast_in_dim3A_274 = vector.broadcast %jit3A_273 : f32 to vector<128x8192xf32>
    %select_n3A_275 = arith.select %eq3A_272, %broadcast_in_dim3A_274, %select_n3A_258 : vector<128x8192xi1>, vector<128x8192xf32>
    %reduce_min3A_276 = arith.constant dense<0x7F800000> : vector<128xf32>
    %reduce_min3A_277 = vector.multi_reduction <minimumf>, %select_n3A_275, %reduce_min3A_276 [1] : vector<128x8192xf32> to vector<128xf32>
    %broadcast_in_dim3A_278 = vector.shape_cast %reduce_min3A_277 : vector<128xf32> to vector<128x1xf32>
    %eq3A_279 = vector.broadcast %broadcast_in_dim3A_278 : vector<128x1xf32> to vector<128x8192xf32>
    %eq3A_280 = arith.cmpf oeq, %select_n3A_275, %eq3A_279 : vector<128x8192xf32>
    %jit3A_281 = arith.constant 8.192000e+03 : f32
    %broadcast_in_dim3A_282 = vector.broadcast %jit3A_281 : f32 to vector<128x8192xf32>
    %select_n3A_283 = arith.select %eq3A_280, %convert_element_type3A_21, %broadcast_in_dim3A_282 : vector<128x8192xi1>, vector<128x8192xf32>
    %reduce_min3A_284 = arith.constant dense<0x7F800000> : vector<128xf32>
    %reduce_min3A_285 = vector.multi_reduction <minimumf>, %select_n3A_283, %reduce_min3A_284 [1] : vector<128x8192xf32> to vector<128xf32>
    %broadcast_in_dim3A_286 = vector.shape_cast %reduce_min3A_285 : vector<128xf32> to vector<128x1xf32>
    %convert_element_type3A_287 = arith.fptosi %broadcast_in_dim3A_286 : vector<128x1xf32> to vector<128x1xi32>
    %concatenate3A = tpu.concatenate %convert_element_type3A_32, %convert_element_type3A_49, %convert_element_type3A_66, %convert_element_type3A_83, %convert_element_type3A_100, %convert_element_type3A_117, %convert_element_type3A_134, %convert_element_type3A_151, %convert_element_type3A_168, %convert_element_type3A_185, %convert_element_type3A_202, %convert_element_type3A_219, %convert_element_type3A_236, %convert_element_type3A_253, %convert_element_type3A_270, %convert_element_type3A_287 in 1 : vector<128x1xi32>, vector<128x1xi32>, vector<128x1xi32>, vector<128x1xi32>, vector<128x1xi32>, vector<128x1xi32>, vector<128x1xi32>, vector<128x1xi32>, vector<128x1xi32>, vector<128x1xi32>, vector<128x1xi32>, vector<128x1xi32>, vector<128x1xi32>, vector<128x1xi32>, vector<128x1xi32>, vector<128x1xi32> -> vector<128x16xi32>
    %swap3A_288 = arith.constant 0 : index
    %swap3A_289 = arith.constant 0 : index
    %swap3A_290 = vector.load %arg4[%swap3A_288, %swap3A_289] : memref<128x16xi32, #tpu.memory_space<vmem>>, vector<128x16xi32>
    tpu.vector_store %arg4[%swap3A_288, %swap3A_289], %concatenate3A {strides = array<i32>} : memref<128x16xi32, #tpu.memory_space<vmem>>, vector<128x16xi32>,
    return
  }
  func.func @transform_0(%arg0: i32, %arg1: i32) -> (i32, i32) {
    %mul3A = arith.constant 32 : i32
    %mul3A_0 = arith.muli %arg0, %mul3A : i32
    %add3A = arith.addi %mul3A_0, %arg1 : i32
    %c0_i32 = arith.constant 0 : i32
    %c0_i32_1 = arith.constant 0 : i32
    return %add3A, %c0_i32 : i32, i32
  }
  func.func @transform_1(%arg0: i32, %arg1: i32) -> (i32, i32, i32) {
    %c0_i32 = arith.constant 0 : i32
    %c0_i32_0 = arith.constant 0 : i32
    %c0_i32_1 = arith.constant 0 : i32
    return %arg0, %c0_i32, %c0_i32_0 : i32, i32, i32
  }
  func.func @transform_2(%arg0: i32, %arg1: i32) -> (i32, i32) {
    %mul3A = arith.constant 32 : i32
    %mul3A_0 = arith.muli %arg0, %mul3A : i32
    %add3A = arith.addi %mul3A_0, %arg1 : i32
    %c0_i32 = arith.constant 0 : i32
    %c0_i32_1 = arith.constant 0 : i32
    return %add3A, %c0_i32 : i32, i32
  }
}

module attributes {stable_mosaic.version = 14 : i64} {
  func.func @_p1_body(%arg0: i32, %arg1: memref<2048x128xf32, #tpu.memory_space<vmem>>, %arg2: memref<128x128xf32, #tpu.memory_space<vmem>>, %arg3: memref<8x128xf32, #tpu.memory_space<vmem>>, %arg4: memref<2048x128xf32, #tpu.memory_space<vmem>>, %arg5: memref<8x128xf32, #tpu.memory_space<vmem>>) attributes {dimension_semantics = [#tpu.dimension_semantics<arbitrary>], iteration_bounds = array<i64: 64>, scalar_prefetch = 0 : i64, scratch_operands = 0 : i64, tpu.core_type = #tpu.core_type<tc>, window_params = [{transform_indices = @transform_0, window_bounds = array<i64: 2048, 128>}, {transform_indices = @transform_1, window_bounds = array<i64: 128, 128>}, {pipeline_mode = #tpu.pipeline_mode<synchronous>, transform_indices = @transform_2, window_bounds = array<i64: 8, 128>}, {transform_indices = @transform_3, window_bounds = array<i64: 2048, 128>}, {pipeline_mode = #tpu.pipeline_mode<synchronous>, transform_indices = @transform_4, window_bounds = array<i64: 8, 128>}]} {
    %get3A = arith.constant 0 : index
    %get3A_0 = arith.constant 0 : index
    %get3A_1 = vector.load %arg2[%get3A, %get3A_0] : memref<128x128xf32, #tpu.memory_space<vmem>>, vector<128x128xf32>
    %broadcast_in_dim3A = vector.shape_cast %get3A_1 : vector<128x128xf32> to vector<128x1x128xf32>
    %broadcast_in_dim3A_2 = vector.shape_cast %broadcast_in_dim3A : vector<128x1x128xf32> to vector<128x1x128xf32>
    %broadcast_in_dim3A_3 = vector.broadcast %broadcast_in_dim3A_2 : vector<128x1x128xf32> to vector<128x16x128xf32>
    %reshape3A = vector.shape_cast %broadcast_in_dim3A_3 : vector<128x16x128xf32> to vector<2048x128xf32>
    %get3A_4 = arith.constant 0 : index
    %get3A_5 = arith.constant 0 : index
    %get3A_6 = vector.load %arg1[%get3A_4, %get3A_5] : memref<2048x128xf32, #tpu.memory_space<vmem>>, vector<2048x128xf32>
    %slice3A = vector.extract_strided_slice %get3A_6 {offsets = [0, 0], sizes = [2048, 3], strides = [1, 1]} : vector<2048x128xf32> to vector<2048x3xf32>
    %slice3A_7 = vector.extract_strided_slice %reshape3A {offsets = [0, 0], sizes = [2048, 3], strides = [1, 1]} : vector<2048x128xf32> to vector<2048x3xf32>
    %sub3A = arith.subf %slice3A, %slice3A_7 : vector<2048x3xf32>
    %mul3A = arith.mulf %sub3A, %sub3A : vector<2048x3xf32>
    %reduce_sum3A = arith.constant dense<0.000000e+00> : vector<2048xf32>
    %reduce_sum3A_8 = vector.multi_reduction <add>, %mul3A, %reduce_sum3A [1] : vector<2048x3xf32> to vector<2048xf32>
    %broadcast_in_dim3A_9 = vector.shape_cast %reduce_sum3A_8 : vector<2048xf32> to vector<2048x1xf32>
    %sqrt3A = math.sqrt %broadcast_in_dim3A_9 : vector<2048x1xf32>
    %slice3A_10 = vector.extract_strided_slice %get3A_6 {offsets = [0, 3], sizes = [2048, 64], strides = [1, 1]} : vector<2048x128xf32> to vector<2048x64xf32>
    %slice3A_11 = vector.extract_strided_slice %reshape3A {offsets = [0, 3], sizes = [2048, 64], strides = [1, 1]} : vector<2048x128xf32> to vector<2048x64xf32>
    %mul3A_12 = arith.mulf %slice3A_10, %slice3A_11 : vector<2048x64xf32>
    %reduce_sum3A_13 = arith.constant dense<0.000000e+00> : vector<2048xf32>
    %reduce_sum3A_14 = vector.multi_reduction <add>, %mul3A_12, %reduce_sum3A_13 [1] : vector<2048x64xf32> to vector<2048xf32>
    %broadcast_in_dim3A_15 = vector.shape_cast %reduce_sum3A_14 : vector<2048xf32> to vector<2048x1xf32>
    %broadcast_in_dim3A_16 = arith.constant 1.000000e+00 : f32
    %broadcast_in_dim3A_17 = vector.broadcast %broadcast_in_dim3A_16 : f32 to vector<2048x1xf32>
    %broadcast_in_dim3A_18 = arith.constant 0.000000e+00 : f32
    %broadcast_in_dim3A_19 = vector.broadcast %broadcast_in_dim3A_18 : f32 to vector<2048x2xf32>
    %concatenate3A = tpu.concatenate %sub3A, %sqrt3A, %broadcast_in_dim3A_15, %broadcast_in_dim3A_17, %broadcast_in_dim3A_19 in 1 : vector<2048x3xf32>, vector<2048x1xf32>, vector<2048x1xf32>, vector<2048x1xf32>, vector<2048x2xf32> -> vector<2048x8xf32>
    %convert_element_type3A = arith.truncf %concatenate3A : vector<2048x8xf32> to vector<2048x8xbf16>
    %get3A_20 = arith.constant 0 : index
    %get3A_21 = arith.constant 0 : index
    %get3A_22 = vector.load %arg3[%get3A_20, %get3A_21] : memref<8x128xf32, #tpu.memory_space<vmem>>, vector<8x128xf32>
    %convert_element_type3A_23 = arith.truncf %get3A_22 : vector<8x128xf32> to vector<8x128xbf16>
    %dot_general3A = arith.constant dense<0.000000e+00> : vector<2048x128xf32>
    %dot_general3A_24 = tpu.matmul %convert_element_type3A, %convert_element_type3A_23, %dot_general3A {dimension_numbers = #tpu.dot_dimension_numbers<[1], [0], [0], [1], [0, 0, 1, 1], [], []>, transpose_lhs_hint = false} : vector<2048x8xbf16>, vector<8x128xbf16>, vector<2048x128xf32> -> vector<2048x128xf32>
    %swap3A = arith.constant 0 : index
    %swap3A_25 = arith.constant 0 : index
    %swap3A_26 = vector.load %arg4[%swap3A, %swap3A_25] : memref<2048x128xf32, #tpu.memory_space<vmem>>, vector<2048x128xf32>
    tpu.vector_store %arg4[%swap3A, %swap3A_25], %dot_general3A_24 {strides = array<i32>} : memref<2048x128xf32, #tpu.memory_space<vmem>>, vector<2048x128xf32>,
    %reduce_sum3A_27 = arith.constant dense<0.000000e+00> : vector<128xf32>
    %reduce_sum3A_28 = vector.multi_reduction <add>, %dot_general3A_24, %reduce_sum3A_27 [0] : vector<2048x128xf32> to vector<128xf32>
    %broadcast_in_dim3A_29 = vector.shape_cast %reduce_sum3A_28 : vector<128xf32> to vector<1x128xf32>
    %mul3A_30 = arith.mulf %dot_general3A_24, %dot_general3A_24 : vector<2048x128xf32>
    %reduce_sum3A_31 = arith.constant dense<0.000000e+00> : vector<128xf32>
    %reduce_sum3A_32 = vector.multi_reduction <add>, %mul3A_30, %reduce_sum3A_31 [0] : vector<2048x128xf32> to vector<128xf32>
    %broadcast_in_dim3A_33 = vector.shape_cast %reduce_sum3A_32 : vector<128xf32> to vector<1x128xf32>
    %broadcast_in_dim3A_34 = arith.constant 0.000000e+00 : f32
    %broadcast_in_dim3A_35 = vector.broadcast %broadcast_in_dim3A_34 : f32 to vector<6x128xf32>
    %concatenate3A_36 = tpu.concatenate %broadcast_in_dim3A_29, %broadcast_in_dim3A_33, %broadcast_in_dim3A_35 in 0 : vector<1x128xf32>, vector<1x128xf32>, vector<6x128xf32> -> vector<8x128xf32>
    %eq3A = arith.constant 0 : i32
    %eq3A_37 = arith.cmpi eq, %arg0, %eq3A : i32
    %convert_element_type3A_38 = arith.extui %eq3A_37 : i1 to i32
    %cond3A = arith.constant 0 : i32
    %cond3A_39 = arith.cmpi ne, %convert_element_type3A_38, %cond3A : i32
    scf.if %cond3A_39 {
      %swap3A_44 = arith.constant 0 : index
      %swap3A_45 = arith.constant 0 : index
      %swap3A_46 = vector.load %arg5[%swap3A_44, %swap3A_45] : memref<8x128xf32, #tpu.memory_space<vmem>>, vector<8x128xf32>
      tpu.vector_store %arg5[%swap3A_44, %swap3A_45], %concatenate3A_36 {strides = array<i32>} : memref<8x128xf32, #tpu.memory_space<vmem>>, vector<8x128xf32>,
    } else {
    }
    %gt3A = arith.constant 0 : i32
    %gt3A_40 = arith.cmpi sgt, %arg0, %gt3A : i32
    %convert_element_type3A_41 = arith.extui %gt3A_40 : i1 to i32
    %cond3A_42 = arith.constant 0 : i32
    %cond3A_43 = arith.cmpi ne, %convert_element_type3A_41, %cond3A_42 : i32
    scf.if %cond3A_43 {
      %get3A_44 = arith.constant 0 : index
      %get3A_45 = arith.constant 0 : index
      %get3A_46 = vector.load %arg5[%get3A_44, %get3A_45] : memref<8x128xf32, #tpu.memory_space<vmem>>, vector<8x128xf32>
      %add3A = arith.addf %get3A_46, %concatenate3A_36 : vector<8x128xf32>
      %swap3A_47 = arith.constant 0 : index
      %swap3A_48 = arith.constant 0 : index
      %swap3A_49 = vector.load %arg5[%swap3A_47, %swap3A_48] : memref<8x128xf32, #tpu.memory_space<vmem>>, vector<8x128xf32>
      tpu.vector_store %arg5[%swap3A_47, %swap3A_48], %add3A {strides = array<i32>} : memref<8x128xf32, #tpu.memory_space<vmem>>, vector<8x128xf32>,
    } else {
    }
    return
  }
  func.func @transform_0(%arg0: i32) -> (i32, i32) {
    %c0_i32 = arith.constant 0 : i32
    %c0_i32_0 = arith.constant 0 : i32
    return %arg0, %c0_i32 : i32, i32
  }
  func.func @transform_1(%arg0: i32) -> (i32, i32) {
    %c0_i32 = arith.constant 0 : i32
    %c0_i32_0 = arith.constant 0 : i32
    return %arg0, %c0_i32 : i32, i32
  }
  func.func @transform_2(%arg0: i32) -> (i32, i32) {
    %c0_i32 = arith.constant 0 : i32
    %c0_i32_0 = arith.constant 0 : i32
    %c0_i32_1 = arith.constant 0 : i32
    return %c0_i32, %c0_i32_0 : i32, i32
  }
  func.func @transform_3(%arg0: i32) -> (i32, i32) {
    %c0_i32 = arith.constant 0 : i32
    %c0_i32_0 = arith.constant 0 : i32
    return %arg0, %c0_i32 : i32, i32
  }
  func.func @transform_4(%arg0: i32) -> (i32, i32) {
    %c0_i32 = arith.constant 0 : i32
    %c0_i32_0 = arith.constant 0 : i32
    %c0_i32_1 = arith.constant 0 : i32
    return %c0_i32, %c0_i32_0 : i32, i32
  }
}

module attributes {stable_mosaic.version = 14 : i64} {
  func.func @_p23_body(%arg0: i32, %arg1: memref<2048x128xf32, #tpu.memory_space<vmem>>, %arg2: memref<8x128xf32, #tpu.memory_space<vmem>>, %arg3: memref<8x128xf32, #tpu.memory_space<vmem>>, %arg4: memref<128x128xf32, #tpu.memory_space<vmem>>, %arg5: memref<8x128xf32, #tpu.memory_space<vmem>>, %arg6: memref<2048x128xf32, #tpu.memory_space<vmem>>, %arg7: memref<8x128xf32, #tpu.memory_space<vmem>>) attributes {dimension_semantics = [#tpu.dimension_semantics<arbitrary>], iteration_bounds = array<i64: 64>, scalar_prefetch = 0 : i64, scratch_operands = 0 : i64, tpu.core_type = #tpu.core_type<tc>, window_params = [{transform_indices = @transform_0, window_bounds = array<i64: 2048, 128>}, {pipeline_mode = #tpu.pipeline_mode<synchronous>, transform_indices = @transform_1, window_bounds = array<i64: 8, 128>}, {pipeline_mode = #tpu.pipeline_mode<synchronous>, transform_indices = @transform_2, window_bounds = array<i64: 8, 128>}, {pipeline_mode = #tpu.pipeline_mode<synchronous>, transform_indices = @transform_3, window_bounds = array<i64: 128, 128>}, {pipeline_mode = #tpu.pipeline_mode<synchronous>, transform_indices = @transform_4, window_bounds = array<i64: 8, 128>}, {transform_indices = @transform_5, window_bounds = array<i64: 2048, 128>}, {pipeline_mode = #tpu.pipeline_mode<synchronous>, transform_indices = @transform_6, window_bounds = array<i64: 8, 128>}]} {
    %get3A = arith.constant 0 : index
    %get3A_0 = arith.constant 0 : index
    %get3A_1 = vector.load %arg2[%get3A, %get3A_0] : memref<8x128xf32, #tpu.memory_space<vmem>>, vector<1x128xf32>
    %mul3A = arith.constant 7.62939453E-6 : f32
    %mul3A_2 = vector.broadcast %mul3A : f32 to vector<1x128xf32>
    %mul3A_3 = arith.mulf %get3A_1, %mul3A_2 : vector<1x128xf32>
    %get3A_4 = arith.constant 1 : index
    %get3A_5 = arith.constant 0 : index
    %get3A_6 = vector.load %arg2[%get3A_4, %get3A_5] : memref<8x128xf32, #tpu.memory_space<vmem>>, vector<1x128xf32>
    %mul3A_7 = arith.constant 7.62939453E-6 : f32
    %mul3A_8 = vector.broadcast %mul3A_7 : f32 to vector<1x128xf32>
    %mul3A_9 = arith.mulf %get3A_6, %mul3A_8 : vector<1x128xf32>
    %mul3A_10 = arith.mulf %mul3A_3, %mul3A_3 : vector<1x128xf32>
    %sub3A = arith.subf %mul3A_9, %mul3A_10 : vector<1x128xf32>
    %get3A_11 = arith.constant 0 : index
    %get3A_12 = arith.constant 0 : index
    %get3A_13 = vector.load %arg3[%get3A_11, %get3A_12] : memref<8x128xf32, #tpu.memory_space<vmem>>, vector<1x128xf32>
    %add3A = arith.constant 9.99999974E-6 : f32
    %add3A_14 = vector.broadcast %add3A : f32 to vector<1x128xf32>
    %add3A_15 = arith.addf %sub3A, %add3A_14 : vector<1x128xf32>
    %rsqrt3A = math.rsqrt %add3A_15 : vector<1x128xf32>
    %mul3A_16 = arith.mulf %get3A_13, %rsqrt3A : vector<1x128xf32>
    %get3A_17 = arith.constant 1 : index
    %get3A_18 = arith.constant 0 : index
    %get3A_19 = vector.load %arg3[%get3A_17, %get3A_18] : memref<8x128xf32, #tpu.memory_space<vmem>>, vector<1x128xf32>
    %mul3A_20 = arith.mulf %mul3A_3, %mul3A_16 : vector<1x128xf32>
    %sub3A_21 = arith.subf %get3A_19, %mul3A_20 : vector<1x128xf32>
    %get3A_22 = arith.constant 0 : index
    %get3A_23 = arith.constant 0 : index
    %get3A_24 = vector.load %arg1[%get3A_22, %get3A_23] : memref<2048x128xf32, #tpu.memory_space<vmem>>, vector<2048x128xf32>
    %mul3A_25 = vector.broadcast %mul3A_16 : vector<1x128xf32> to vector<2048x128xf32>
    %mul3A_26 = arith.mulf %get3A_24, %mul3A_25 : vector<2048x128xf32>
    %add3A_27 = vector.broadcast %sub3A_21 : vector<1x128xf32> to vector<2048x128xf32>
    %add3A_28 = arith.addf %mul3A_26, %add3A_27 : vector<2048x128xf32>
    %max3A = arith.constant 0.000000e+00 : f32
    %max3A_29 = vector.broadcast %max3A : f32 to vector<2048x128xf32>
    %max3A_30 = arith.maximumf %add3A_28, %max3A_29 : vector<2048x128xf32>
    %convert_element_type3A = arith.truncf %max3A_30 : vector<2048x128xf32> to vector<2048x128xbf16>
    %get3A_31 = arith.constant 0 : index
    %get3A_32 = arith.constant 0 : index
    %get3A_33 = vector.load %arg4[%get3A_31, %get3A_32] : memref<128x128xf32, #tpu.memory_space<vmem>>, vector<128x128xf32>
    %convert_element_type3A_34 = arith.truncf %get3A_33 : vector<128x128xf32> to vector<128x128xbf16>
    %dot_general3A = arith.constant dense<0.000000e+00> : vector<2048x128xf32>
    %dot_general3A_35 = tpu.matmul %convert_element_type3A, %convert_element_type3A_34, %dot_general3A {dimension_numbers = #tpu.dot_dimension_numbers<[1], [0], [0], [1], [0, 0, 1, 1], [], []>, transpose_lhs_hint = false} : vector<2048x128xbf16>, vector<128x128xbf16>, vector<2048x128xf32> -> vector<2048x128xf32>
    %get3A_36 = arith.constant 0 : index
    %get3A_37 = arith.constant 0 : index
    %get3A_38 = vector.load %arg5[%get3A_36, %get3A_37] : memref<8x128xf32, #tpu.memory_space<vmem>>, vector<1x128xf32>
    %add3A_39 = vector.broadcast %get3A_38 : vector<1x128xf32> to vector<2048x128xf32>
    %add3A_40 = arith.addf %dot_general3A_35, %add3A_39 : vector<2048x128xf32>
    %swap3A = arith.constant 0 : index
    %swap3A_41 = arith.constant 0 : index
    %swap3A_42 = vector.load %arg6[%swap3A, %swap3A_41] : memref<2048x128xf32, #tpu.memory_space<vmem>>, vector<2048x128xf32>
    tpu.vector_store %arg6[%swap3A, %swap3A_41], %add3A_40 {strides = array<i32>} : memref<2048x128xf32, #tpu.memory_space<vmem>>, vector<2048x128xf32>,
    %reduce_sum3A = arith.constant dense<0.000000e+00> : vector<128xf32>
    %reduce_sum3A_43 = vector.multi_reduction <add>, %add3A_40, %reduce_sum3A [0] : vector<2048x128xf32> to vector<128xf32>
    %broadcast_in_dim3A = vector.shape_cast %reduce_sum3A_43 : vector<128xf32> to vector<1x128xf32>
    %mul3A_44 = arith.mulf %add3A_40, %add3A_40 : vector<2048x128xf32>
    %reduce_sum3A_45 = arith.constant dense<0.000000e+00> : vector<128xf32>
    %reduce_sum3A_46 = vector.multi_reduction <add>, %mul3A_44, %reduce_sum3A_45 [0] : vector<2048x128xf32> to vector<128xf32>
    %broadcast_in_dim3A_47 = vector.shape_cast %reduce_sum3A_46 : vector<128xf32> to vector<1x128xf32>
    %broadcast_in_dim3A_48 = arith.constant 0.000000e+00 : f32
    %broadcast_in_dim3A_49 = vector.broadcast %broadcast_in_dim3A_48 : f32 to vector<6x128xf32>
    %concatenate3A = tpu.concatenate %broadcast_in_dim3A, %broadcast_in_dim3A_47, %broadcast_in_dim3A_49 in 0 : vector<1x128xf32>, vector<1x128xf32>, vector<6x128xf32> -> vector<8x128xf32>
    %eq3A = arith.constant 0 : i32
    %eq3A_50 = arith.cmpi eq, %arg0, %eq3A : i32
    %convert_element_type3A_51 = arith.extui %eq3A_50 : i1 to i32
    %cond3A = arith.constant 0 : i32
    %cond3A_52 = arith.cmpi ne, %convert_element_type3A_51, %cond3A : i32
    scf.if %cond3A_52 {
      %swap3A_57 = arith.constant 0 : index
      %swap3A_58 = arith.constant 0 : index
      %swap3A_59 = vector.load %arg7[%swap3A_57, %swap3A_58] : memref<8x128xf32, #tpu.memory_space<vmem>>, vector<8x128xf32>
      tpu.vector_store %arg7[%swap3A_57, %swap3A_58], %concatenate3A {strides = array<i32>} : memref<8x128xf32, #tpu.memory_space<vmem>>, vector<8x128xf32>,
    } else {
    }
    %gt3A = arith.constant 0 : i32
    %gt3A_53 = arith.cmpi sgt, %arg0, %gt3A : i32
    %convert_element_type3A_54 = arith.extui %gt3A_53 : i1 to i32
    %cond3A_55 = arith.constant 0 : i32
    %cond3A_56 = arith.cmpi ne, %convert_element_type3A_54, %cond3A_55 : i32
    scf.if %cond3A_56 {
      %get3A_57 = arith.constant 0 : index
      %get3A_58 = arith.constant 0 : index
      %get3A_59 = vector.load %arg7[%get3A_57, %get3A_58] : memref<8x128xf32, #tpu.memory_space<vmem>>, vector<8x128xf32>
      %add3A_60 = arith.addf %get3A_59, %concatenate3A : vector<8x128xf32>
      %swap3A_61 = arith.constant 0 : index
      %swap3A_62 = arith.constant 0 : index
      %swap3A_63 = vector.load %arg7[%swap3A_61, %swap3A_62] : memref<8x128xf32, #tpu.memory_space<vmem>>, vector<8x128xf32>
      tpu.vector_store %arg7[%swap3A_61, %swap3A_62], %add3A_60 {strides = array<i32>} : memref<8x128xf32, #tpu.memory_space<vmem>>, vector<8x128xf32>,
    } else {
    }
    return
  }
  func.func @transform_0(%arg0: i32) -> (i32, i32) {
    %c0_i32 = arith.constant 0 : i32
    %c0_i32_0 = arith.constant 0 : i32
    return %arg0, %c0_i32 : i32, i32
  }
  func.func @transform_1(%arg0: i32) -> (i32, i32) {
    %c0_i32 = arith.constant 0 : i32
    %c0_i32_0 = arith.constant 0 : i32
    %c0_i32_1 = arith.constant 0 : i32
    return %c0_i32, %c0_i32_0 : i32, i32
  }
  func.func @transform_2(%arg0: i32) -> (i32, i32) {
    %c0_i32 = arith.constant 0 : i32
    %c0_i32_0 = arith.constant 0 : i32
    %c0_i32_1 = arith.constant 0 : i32
    return %c0_i32, %c0_i32_0 : i32, i32
  }
  func.func @transform_3(%arg0: i32) -> (i32, i32) {
    %c0_i32 = arith.constant 0 : i32
    %c0_i32_0 = arith.constant 0 : i32
    %c0_i32_1 = arith.constant 0 : i32
    return %c0_i32, %c0_i32_0 : i32, i32
  }
  func.func @transform_4(%arg0: i32) -> (i32, i32) {
    %c0_i32 = arith.constant 0 : i32
    %c0_i32_0 = arith.constant 0 : i32
    %c0_i32_1 = arith.constant 0 : i32
    return %c0_i32, %c0_i32_0 : i32, i32
  }
  func.func @transform_5(%arg0: i32) -> (i32, i32) {
    %c0_i32 = arith.constant 0 : i32
    %c0_i32_0 = arith.constant 0 : i32
    return %arg0, %c0_i32 : i32, i32
  }
  func.func @transform_6(%arg0: i32) -> (i32, i32) {
    %c0_i32 = arith.constant 0 : i32
    %c0_i32_0 = arith.constant 0 : i32
    %c0_i32_1 = arith.constant 0 : i32
    return %c0_i32, %c0_i32_0 : i32, i32
  }
}

module attributes {stable_mosaic.version = 14 : i64} {
  func.func @_p3_body(%arg0: i32, %arg1: memref<2048x128xf32, #tpu.memory_space<vmem>>, %arg2: memref<8x128xf32, #tpu.memory_space<vmem>>, %arg3: memref<8x128xf32, #tpu.memory_space<vmem>>, %arg4: memref<128x256xf32, #tpu.memory_space<vmem>>, %arg5: memref<8x256xf32, #tpu.memory_space<vmem>>, %arg6: memref<8x256xf32, #tpu.memory_space<vmem>>) attributes {dimension_semantics = [#tpu.dimension_semantics<arbitrary>], iteration_bounds = array<i64: 64>, scalar_prefetch = 0 : i64, scratch_operands = 0 : i64, tpu.core_type = #tpu.core_type<tc>, window_params = [{transform_indices = @transform_0, window_bounds = array<i64: 2048, 128>}, {pipeline_mode = #tpu.pipeline_mode<synchronous>, transform_indices = @transform_1, window_bounds = array<i64: 8, 128>}, {pipeline_mode = #tpu.pipeline_mode<synchronous>, transform_indices = @transform_2, window_bounds = array<i64: 8, 128>}, {pipeline_mode = #tpu.pipeline_mode<synchronous>, transform_indices = @transform_3, window_bounds = array<i64: 128, 256>}, {pipeline_mode = #tpu.pipeline_mode<synchronous>, transform_indices = @transform_4, window_bounds = array<i64: 8, 256>}, {pipeline_mode = #tpu.pipeline_mode<synchronous>, transform_indices = @transform_5, window_bounds = array<i64: 8, 256>}]} {
    %get3A = arith.constant 0 : index
    %get3A_0 = arith.constant 0 : index
    %get3A_1 = vector.load %arg2[%get3A, %get3A_0] : memref<8x128xf32, #tpu.memory_space<vmem>>, vector<1x128xf32>
    %mul3A = arith.constant 7.62939453E-6 : f32
    %mul3A_2 = vector.broadcast %mul3A : f32 to vector<1x128xf32>
    %mul3A_3 = arith.mulf %get3A_1, %mul3A_2 : vector<1x128xf32>
    %get3A_4 = arith.constant 1 : index
    %get3A_5 = arith.constant 0 : index
    %get3A_6 = vector.load %arg2[%get3A_4, %get3A_5] : memref<8x128xf32, #tpu.memory_space<vmem>>, vector<1x128xf32>
    %mul3A_7 = arith.constant 7.62939453E-6 : f32
    %mul3A_8 = vector.broadcast %mul3A_7 : f32 to vector<1x128xf32>
    %mul3A_9 = arith.mulf %get3A_6, %mul3A_8 : vector<1x128xf32>
    %mul3A_10 = arith.mulf %mul3A_3, %mul3A_3 : vector<1x128xf32>
    %sub3A = arith.subf %mul3A_9, %mul3A_10 : vector<1x128xf32>
    %get3A_11 = arith.constant 0 : index
    %get3A_12 = arith.constant 0 : index
    %get3A_13 = vector.load %arg3[%get3A_11, %get3A_12] : memref<8x128xf32, #tpu.memory_space<vmem>>, vector<1x128xf32>
    %add3A = arith.constant 9.99999974E-6 : f32
    %add3A_14 = vector.broadcast %add3A : f32 to vector<1x128xf32>
    %add3A_15 = arith.addf %sub3A, %add3A_14 : vector<1x128xf32>
    %rsqrt3A = math.rsqrt %add3A_15 : vector<1x128xf32>
    %mul3A_16 = arith.mulf %get3A_13, %rsqrt3A : vector<1x128xf32>
    %get3A_17 = arith.constant 1 : index
    %get3A_18 = arith.constant 0 : index
    %get3A_19 = vector.load %arg3[%get3A_17, %get3A_18] : memref<8x128xf32, #tpu.memory_space<vmem>>, vector<1x128xf32>
    %mul3A_20 = arith.mulf %mul3A_3, %mul3A_16 : vector<1x128xf32>
    %sub3A_21 = arith.subf %get3A_19, %mul3A_20 : vector<1x128xf32>
    %get3A_22 = arith.constant 0 : index
    %get3A_23 = arith.constant 0 : index
    %get3A_24 = vector.load %arg1[%get3A_22, %get3A_23] : memref<2048x128xf32, #tpu.memory_space<vmem>>, vector<2048x128xf32>
    %mul3A_25 = vector.broadcast %mul3A_16 : vector<1x128xf32> to vector<2048x128xf32>
    %mul3A_26 = arith.mulf %get3A_24, %mul3A_25 : vector<2048x128xf32>
    %add3A_27 = vector.broadcast %sub3A_21 : vector<1x128xf32> to vector<2048x128xf32>
    %add3A_28 = arith.addf %mul3A_26, %add3A_27 : vector<2048x128xf32>
    %max3A = arith.constant 0.000000e+00 : f32
    %max3A_29 = vector.broadcast %max3A : f32 to vector<2048x128xf32>
    %max3A_30 = arith.maximumf %add3A_28, %max3A_29 : vector<2048x128xf32>
    %convert_element_type3A = arith.truncf %max3A_30 : vector<2048x128xf32> to vector<2048x128xbf16>
    %get3A_31 = arith.constant 0 : index
    %get3A_32 = arith.constant 0 : index
    %get3A_33 = vector.load %arg4[%get3A_31, %get3A_32] : memref<128x256xf32, #tpu.memory_space<vmem>>, vector<128x256xf32>
    %convert_element_type3A_34 = arith.truncf %get3A_33 : vector<128x256xf32> to vector<128x256xbf16>
    %dot_general3A = arith.constant dense<0.000000e+00> : vector<2048x256xf32>
    %dot_general3A_35 = tpu.matmul %convert_element_type3A, %convert_element_type3A_34, %dot_general3A {dimension_numbers = #tpu.dot_dimension_numbers<[1], [0], [0], [1], [0, 0, 1, 1], [], []>, transpose_lhs_hint = false} : vector<2048x128xbf16>, vector<128x256xbf16>, vector<2048x256xf32> -> vector<2048x256xf32>
    %get3A_36 = arith.constant 0 : index
    %get3A_37 = arith.constant 0 : index
    %get3A_38 = vector.load %arg5[%get3A_36, %get3A_37] : memref<8x256xf32, #tpu.memory_space<vmem>>, vector<1x256xf32>
    %add3A_39 = vector.broadcast %get3A_38 : vector<1x256xf32> to vector<2048x256xf32>
    %add3A_40 = arith.addf %dot_general3A_35, %add3A_39 : vector<2048x256xf32>
    %reduce_sum3A = arith.constant dense<0.000000e+00> : vector<256xf32>
    %reduce_sum3A_41 = vector.multi_reduction <add>, %add3A_40, %reduce_sum3A [0] : vector<2048x256xf32> to vector<256xf32>
    %broadcast_in_dim3A = vector.shape_cast %reduce_sum3A_41 : vector<256xf32> to vector<1x256xf32>
    %mul3A_42 = arith.mulf %add3A_40, %add3A_40 : vector<2048x256xf32>
    %reduce_sum3A_43 = arith.constant dense<0.000000e+00> : vector<256xf32>
    %reduce_sum3A_44 = vector.multi_reduction <add>, %mul3A_42, %reduce_sum3A_43 [0] : vector<2048x256xf32> to vector<256xf32>
    %broadcast_in_dim3A_45 = vector.shape_cast %reduce_sum3A_44 : vector<256xf32> to vector<1x256xf32>
    %broadcast_in_dim3A_46 = arith.constant 0.000000e+00 : f32
    %broadcast_in_dim3A_47 = vector.broadcast %broadcast_in_dim3A_46 : f32 to vector<6x256xf32>
    %concatenate3A = tpu.concatenate %broadcast_in_dim3A, %broadcast_in_dim3A_45, %broadcast_in_dim3A_47 in 0 : vector<1x256xf32>, vector<1x256xf32>, vector<6x256xf32> -> vector<8x256xf32>
    %eq3A = arith.constant 0 : i32
    %eq3A_48 = arith.cmpi eq, %arg0, %eq3A : i32
    %convert_element_type3A_49 = arith.extui %eq3A_48 : i1 to i32
    %cond3A = arith.constant 0 : i32
    %cond3A_50 = arith.cmpi ne, %convert_element_type3A_49, %cond3A : i32
    scf.if %cond3A_50 {
      %swap3A = arith.constant 0 : index
      %swap3A_55 = arith.constant 0 : index
      %swap3A_56 = vector.load %arg6[%swap3A, %swap3A_55] : memref<8x256xf32, #tpu.memory_space<vmem>>, vector<8x256xf32>
      tpu.vector_store %arg6[%swap3A, %swap3A_55], %concatenate3A {strides = array<i32>} : memref<8x256xf32, #tpu.memory_space<vmem>>, vector<8x256xf32>,
    } else {
    }
    %gt3A = arith.constant 0 : i32
    %gt3A_51 = arith.cmpi sgt, %arg0, %gt3A : i32
    %convert_element_type3A_52 = arith.extui %gt3A_51 : i1 to i32
    %cond3A_53 = arith.constant 0 : i32
    %cond3A_54 = arith.cmpi ne, %convert_element_type3A_52, %cond3A_53 : i32
    scf.if %cond3A_54 {
      %get3A_55 = arith.constant 0 : index
      %get3A_56 = arith.constant 0 : index
      %get3A_57 = vector.load %arg6[%get3A_55, %get3A_56] : memref<8x256xf32, #tpu.memory_space<vmem>>, vector<8x256xf32>
      %add3A_58 = arith.addf %get3A_57, %concatenate3A : vector<8x256xf32>
      %swap3A = arith.constant 0 : index
      %swap3A_59 = arith.constant 0 : index
      %swap3A_60 = vector.load %arg6[%swap3A, %swap3A_59] : memref<8x256xf32, #tpu.memory_space<vmem>>, vector<8x256xf32>
      tpu.vector_store %arg6[%swap3A, %swap3A_59], %add3A_58 {strides = array<i32>} : memref<8x256xf32, #tpu.memory_space<vmem>>, vector<8x256xf32>,
    } else {
    }
    return
  }
  func.func @transform_0(%arg0: i32) -> (i32, i32) {
    %c0_i32 = arith.constant 0 : i32
    %c0_i32_0 = arith.constant 0 : i32
    return %arg0, %c0_i32 : i32, i32
  }
  func.func @transform_1(%arg0: i32) -> (i32, i32) {
    %c0_i32 = arith.constant 0 : i32
    %c0_i32_0 = arith.constant 0 : i32
    %c0_i32_1 = arith.constant 0 : i32
    return %c0_i32, %c0_i32_0 : i32, i32
  }
  func.func @transform_2(%arg0: i32) -> (i32, i32) {
    %c0_i32 = arith.constant 0 : i32
    %c0_i32_0 = arith.constant 0 : i32
    %c0_i32_1 = arith.constant 0 : i32
    return %c0_i32, %c0_i32_0 : i32, i32
  }
  func.func @transform_3(%arg0: i32) -> (i32, i32) {
    %c0_i32 = arith.constant 0 : i32
    %c0_i32_0 = arith.constant 0 : i32
    %c0_i32_1 = arith.constant 0 : i32
    return %c0_i32, %c0_i32_0 : i32, i32
  }
  func.func @transform_4(%arg0: i32) -> (i32, i32) {
    %c0_i32 = arith.constant 0 : i32
    %c0_i32_0 = arith.constant 0 : i32
    %c0_i32_1 = arith.constant 0 : i32
    return %c0_i32, %c0_i32_0 : i32, i32
  }
  func.func @transform_5(%arg0: i32) -> (i32, i32) {
    %c0_i32 = arith.constant 0 : i32
    %c0_i32_0 = arith.constant 0 : i32
    %c0_i32_1 = arith.constant 0 : i32
    return %c0_i32, %c0_i32_0 : i32, i32
  }
}

module attributes {stable_mosaic.version = 14 : i64} {
  func.func @_p4_body(%arg0: i32, %arg1: memref<2048x128xf32, #tpu.memory_space<vmem>>, %arg2: memref<8x128xf32, #tpu.memory_space<vmem>>, %arg3: memref<8x128xf32, #tpu.memory_space<vmem>>, %arg4: memref<128x256xf32, #tpu.memory_space<vmem>>, %arg5: memref<8x256xf32, #tpu.memory_space<vmem>>, %arg6: memref<8x256xf32, #tpu.memory_space<vmem>>, %arg7: memref<8x256xf32, #tpu.memory_space<vmem>>, %arg8: memref<2048x128xf32, #tpu.memory_space<vmem>>, %arg9: memref<128x128xf32, #tpu.memory_space<vmem>>) attributes {dimension_semantics = [#tpu.dimension_semantics<arbitrary>], iteration_bounds = array<i64: 64>, scalar_prefetch = 0 : i64, scratch_operands = 0 : i64, tpu.core_type = #tpu.core_type<tc>, window_params = [{transform_indices = @transform_0, window_bounds = array<i64: 2048, 128>}, {pipeline_mode = #tpu.pipeline_mode<synchronous>, transform_indices = @transform_1, window_bounds = array<i64: 8, 128>}, {pipeline_mode = #tpu.pipeline_mode<synchronous>, transform_indices = @transform_2, window_bounds = array<i64: 8, 128>}, {pipeline_mode = #tpu.pipeline_mode<synchronous>, transform_indices = @transform_3, window_bounds = array<i64: 128, 256>}, {pipeline_mode = #tpu.pipeline_mode<synchronous>, transform_indices = @transform_4, window_bounds = array<i64: 8, 256>}, {pipeline_mode = #tpu.pipeline_mode<synchronous>, transform_indices = @transform_5, window_bounds = array<i64: 8, 256>}, {pipeline_mode = #tpu.pipeline_mode<synchronous>, transform_indices = @transform_6, window_bounds = array<i64: 8, 256>}, {transform_indices = @transform_7, window_bounds = array<i64: 2048, 128>}, {transform_indices = @transform_8, window_bounds = array<i64: 128, 128>}]} {
    %get3A = arith.constant 0 : index
    %get3A_0 = arith.constant 0 : index
    %get3A_1 = vector.load %arg2[%get3A, %get3A_0] : memref<8x128xf32, #tpu.memory_space<vmem>>, vector<1x128xf32>
    %mul3A = arith.constant 7.62939453E-6 : f32
    %mul3A_2 = vector.broadcast %mul3A : f32 to vector<1x128xf32>
    %mul3A_3 = arith.mulf %get3A_1, %mul3A_2 : vector<1x128xf32>
    %get3A_4 = arith.constant 1 : index
    %get3A_5 = arith.constant 0 : index
    %get3A_6 = vector.load %arg2[%get3A_4, %get3A_5] : memref<8x128xf32, #tpu.memory_space<vmem>>, vector<1x128xf32>
    %mul3A_7 = arith.constant 7.62939453E-6 : f32
    %mul3A_8 = vector.broadcast %mul3A_7 : f32 to vector<1x128xf32>
    %mul3A_9 = arith.mulf %get3A_6, %mul3A_8 : vector<1x128xf32>
    %mul3A_10 = arith.mulf %mul3A_3, %mul3A_3 : vector<1x128xf32>
    %sub3A = arith.subf %mul3A_9, %mul3A_10 : vector<1x128xf32>
    %get3A_11 = arith.constant 0 : index
    %get3A_12 = arith.constant 0 : index
    %get3A_13 = vector.load %arg3[%get3A_11, %get3A_12] : memref<8x128xf32, #tpu.memory_space<vmem>>, vector<1x128xf32>
    %add3A = arith.constant 9.99999974E-6 : f32
    %add3A_14 = vector.broadcast %add3A : f32 to vector<1x128xf32>
    %add3A_15 = arith.addf %sub3A, %add3A_14 : vector<1x128xf32>
    %rsqrt3A = math.rsqrt %add3A_15 : vector<1x128xf32>
    %mul3A_16 = arith.mulf %get3A_13, %rsqrt3A : vector<1x128xf32>
    %get3A_17 = arith.constant 1 : index
    %get3A_18 = arith.constant 0 : index
    %get3A_19 = vector.load %arg3[%get3A_17, %get3A_18] : memref<8x128xf32, #tpu.memory_space<vmem>>, vector<1x128xf32>
    %mul3A_20 = arith.mulf %mul3A_3, %mul3A_16 : vector<1x128xf32>
    %sub3A_21 = arith.subf %get3A_19, %mul3A_20 : vector<1x128xf32>
    %get3A_22 = arith.constant 0 : index
    %get3A_23 = arith.constant 0 : index
    %get3A_24 = vector.load %arg1[%get3A_22, %get3A_23] : memref<2048x128xf32, #tpu.memory_space<vmem>>, vector<2048x128xf32>
    %mul3A_25 = vector.broadcast %mul3A_16 : vector<1x128xf32> to vector<2048x128xf32>
    %mul3A_26 = arith.mulf %get3A_24, %mul3A_25 : vector<2048x128xf32>
    %add3A_27 = vector.broadcast %sub3A_21 : vector<1x128xf32> to vector<2048x128xf32>
    %add3A_28 = arith.addf %mul3A_26, %add3A_27 : vector<2048x128xf32>
    %max3A = arith.constant 0.000000e+00 : f32
    %max3A_29 = vector.broadcast %max3A : f32 to vector<2048x128xf32>
    %max3A_30 = arith.maximumf %add3A_28, %max3A_29 : vector<2048x128xf32>
    %convert_element_type3A = arith.truncf %max3A_30 : vector<2048x128xf32> to vector<2048x128xbf16>
    %get3A_31 = arith.constant 0 : index
    %get3A_32 = arith.constant 0 : index
    %get3A_33 = vector.load %arg4[%get3A_31, %get3A_32] : memref<128x256xf32, #tpu.memory_space<vmem>>, vector<128x256xf32>
    %convert_element_type3A_34 = arith.truncf %get3A_33 : vector<128x256xf32> to vector<128x256xbf16>
    %dot_general3A = arith.constant dense<0.000000e+00> : vector<2048x256xf32>
    %dot_general3A_35 = tpu.matmul %convert_element_type3A, %convert_element_type3A_34, %dot_general3A {dimension_numbers = #tpu.dot_dimension_numbers<[1], [0], [0], [1], [0, 0, 1, 1], [], []>, transpose_lhs_hint = false} : vector<2048x128xbf16>, vector<128x256xbf16>, vector<2048x256xf32> -> vector<2048x256xf32>
    %get3A_36 = arith.constant 0 : index
    %get3A_37 = arith.constant 0 : index
    %get3A_38 = vector.load %arg5[%get3A_36, %get3A_37] : memref<8x256xf32, #tpu.memory_space<vmem>>, vector<1x256xf32>
    %add3A_39 = vector.broadcast %get3A_38 : vector<1x256xf32> to vector<2048x256xf32>
    %add3A_40 = arith.addf %dot_general3A_35, %add3A_39 : vector<2048x256xf32>
    %get3A_41 = arith.constant 0 : index
    %get3A_42 = arith.constant 0 : index
    %get3A_43 = vector.load %arg6[%get3A_41, %get3A_42] : memref<8x256xf32, #tpu.memory_space<vmem>>, vector<1x256xf32>
    %mul3A_44 = arith.constant 7.62939453E-6 : f32
    %mul3A_45 = vector.broadcast %mul3A_44 : f32 to vector<1x256xf32>
    %mul3A_46 = arith.mulf %get3A_43, %mul3A_45 : vector<1x256xf32>
    %get3A_47 = arith.constant 1 : index
    %get3A_48 = arith.constant 0 : index
    %get3A_49 = vector.load %arg6[%get3A_47, %get3A_48] : memref<8x256xf32, #tpu.memory_space<vmem>>, vector<1x256xf32>
    %mul3A_50 = arith.constant 7.62939453E-6 : f32
    %mul3A_51 = vector.broadcast %mul3A_50 : f32 to vector<1x256xf32>
    %mul3A_52 = arith.mulf %get3A_49, %mul3A_51 : vector<1x256xf32>
    %mul3A_53 = arith.mulf %mul3A_46, %mul3A_46 : vector<1x256xf32>
    %sub3A_54 = arith.subf %mul3A_52, %mul3A_53 : vector<1x256xf32>
    %get3A_55 = arith.constant 0 : index
    %get3A_56 = arith.constant 0 : index
    %get3A_57 = vector.load %arg7[%get3A_55, %get3A_56] : memref<8x256xf32, #tpu.memory_space<vmem>>, vector<1x256xf32>
    %add3A_58 = arith.constant 9.99999974E-6 : f32
    %add3A_59 = vector.broadcast %add3A_58 : f32 to vector<1x256xf32>
    %add3A_60 = arith.addf %sub3A_54, %add3A_59 : vector<1x256xf32>
    %rsqrt3A_61 = math.rsqrt %add3A_60 : vector<1x256xf32>
    %mul3A_62 = arith.mulf %get3A_57, %rsqrt3A_61 : vector<1x256xf32>
    %get3A_63 = arith.constant 1 : index
    %get3A_64 = arith.constant 0 : index
    %get3A_65 = vector.load %arg7[%get3A_63, %get3A_64] : memref<8x256xf32, #tpu.memory_space<vmem>>, vector<1x256xf32>
    %mul3A_66 = arith.mulf %mul3A_46, %mul3A_62 : vector<1x256xf32>
    %sub3A_67 = arith.subf %get3A_65, %mul3A_66 : vector<1x256xf32>
    %mul3A_68 = vector.broadcast %mul3A_62 : vector<1x256xf32> to vector<2048x256xf32>
    %mul3A_69 = arith.mulf %add3A_40, %mul3A_68 : vector<2048x256xf32>
    %add3A_70 = vector.broadcast %sub3A_67 : vector<1x256xf32> to vector<2048x256xf32>
    %add3A_71 = arith.addf %mul3A_69, %add3A_70 : vector<2048x256xf32>
    %max3A_72 = arith.constant 0.000000e+00 : f32
    %max3A_73 = vector.broadcast %max3A_72 : f32 to vector<2048x256xf32>
    %max3A_74 = arith.maximumf %add3A_71, %max3A_73 : vector<2048x256xf32>
    %slice3A = vector.extract_strided_slice %max3A_74 {offsets = [0, 0], sizes = [2048, 128], strides = [1, 1]} : vector<2048x256xf32> to vector<2048x128xf32>
    %reduce_max3A = arith.constant dense<0xFF800000> : vector<2048xf32>
    %reduce_max3A_75 = vector.multi_reduction <maximumf>, %slice3A, %reduce_max3A [1] : vector<2048x128xf32> to vector<2048xf32>
    %broadcast_in_dim3A = vector.shape_cast %reduce_max3A_75 : vector<2048xf32> to vector<2048x1xf32>
    %slice3A_76 = vector.extract_strided_slice %max3A_74 {offsets = [0, 128], sizes = [2048, 128], strides = [1, 1]} : vector<2048x256xf32> to vector<2048x128xf32>
    %reduce_max3A_77 = arith.constant dense<0xFF800000> : vector<2048xf32>
    %reduce_max3A_78 = vector.multi_reduction <maximumf>, %slice3A_76, %reduce_max3A_77 [1] : vector<2048x128xf32> to vector<2048xf32>
    %broadcast_in_dim3A_79 = vector.shape_cast %reduce_max3A_78 : vector<2048xf32> to vector<2048x1xf32>
    %reshape3A = vector.shape_cast %broadcast_in_dim3A : vector<2048x1xf32> to vector<128x16xf32>
    %reduce_max3A_80 = arith.constant dense<0xFF800000> : vector<128xf32>
    %reduce_max3A_81 = vector.multi_reduction <maximumf>, %reshape3A, %reduce_max3A_80 [1] : vector<128x16xf32> to vector<128xf32>
    %broadcast_in_dim3A_82 = vector.shape_cast %reduce_max3A_81 : vector<128xf32> to vector<128x1xf32>
    %sub3A_83 = vector.broadcast %broadcast_in_dim3A_82 : vector<128x1xf32> to vector<128x16xf32>
    %sub3A_84 = arith.subf %reshape3A, %sub3A_83 : vector<128x16xf32>
    %exp3A = math.exp %sub3A_84 : vector<128x16xf32>
    %reduce_sum3A = arith.constant dense<0.000000e+00> : vector<128xf32>
    %reduce_sum3A_85 = vector.multi_reduction <add>, %exp3A, %reduce_sum3A [1] : vector<128x16xf32> to vector<128xf32>
    %broadcast_in_dim3A_86 = vector.shape_cast %reduce_sum3A_85 : vector<128xf32> to vector<128x1xf32>
    %div3A = vector.broadcast %broadcast_in_dim3A_86 : vector<128x1xf32> to vector<128x16xf32>
    %div3A_87 = arith.divf %exp3A, %div3A : vector<128x16xf32>
    %reshape3A_88 = vector.shape_cast %div3A_87 : vector<128x16xf32> to vector<2048x1xf32>
    %reshape3A_89 = vector.shape_cast %broadcast_in_dim3A_79 : vector<2048x1xf32> to vector<128x16xf32>
    %reduce_max3A_90 = arith.constant dense<0xFF800000> : vector<128xf32>
    %reduce_max3A_91 = vector.multi_reduction <maximumf>, %reshape3A_89, %reduce_max3A_90 [1] : vector<128x16xf32> to vector<128xf32>
    %broadcast_in_dim3A_92 = vector.shape_cast %reduce_max3A_91 : vector<128xf32> to vector<128x1xf32>
    %sub3A_93 = vector.broadcast %broadcast_in_dim3A_92 : vector<128x1xf32> to vector<128x16xf32>
    %sub3A_94 = arith.subf %reshape3A_89, %sub3A_93 : vector<128x16xf32>
    %exp3A_95 = math.exp %sub3A_94 : vector<128x16xf32>
    %reduce_sum3A_96 = arith.constant dense<0.000000e+00> : vector<128xf32>
    %reduce_sum3A_97 = vector.multi_reduction <add>, %exp3A_95, %reduce_sum3A_96 [1] : vector<128x16xf32> to vector<128xf32>
    %broadcast_in_dim3A_98 = vector.shape_cast %reduce_sum3A_97 : vector<128xf32> to vector<128x1xf32>
    %div3A_99 = vector.broadcast %broadcast_in_dim3A_98 : vector<128x1xf32> to vector<128x16xf32>
    %div3A_100 = arith.divf %exp3A_95, %div3A_99 : vector<128x16xf32>
    %reshape3A_101 = vector.shape_cast %div3A_100 : vector<128x16xf32> to vector<2048x1xf32>
    %iota3A = tpu.iota {dimensions = array<i32: 1>} : vector<2048x128xi32>
    %lt3A = arith.constant 3 : i32
    %lt3A_102 = vector.broadcast %lt3A : i32 to vector<2048x128xi32>
    %lt3A_103 = arith.cmpi slt, %iota3A, %lt3A_102 : vector<2048x128xi32>
    %lt3A_104 = arith.constant 67 : i32
    %lt3A_105 = vector.broadcast %lt3A_104 : i32 to vector<2048x128xi32>
    %lt3A_106 = arith.cmpi slt, %iota3A, %lt3A_105 : vector<2048x128xi32>
    %jit3A = arith.constant 0.000000e+00 : f32
    %broadcast_in_dim3A_107 = vector.shape_cast %reshape3A_101 : vector<2048x1xf32> to vector<2048x1xf32>
    %broadcast_in_dim3A_108 = vector.broadcast %broadcast_in_dim3A_107 : vector<2048x1xf32> to vector<2048x128xf32>
    %broadcast_in_dim3A_109 = vector.broadcast %jit3A : f32 to vector<2048x128xf32>
    %select_n3A = arith.select %lt3A_106, %broadcast_in_dim3A_108, %broadcast_in_dim3A_109 : vector<2048x128xi1>, vector<2048x128xf32>
    %broadcast_in_dim3A_110 = vector.shape_cast %reshape3A_88 : vector<2048x1xf32> to vector<2048x1xf32>
    %broadcast_in_dim3A_111 = vector.broadcast %broadcast_in_dim3A_110 : vector<2048x1xf32> to vector<2048x128xf32>
    %select_n3A_112 = arith.select %lt3A_103, %broadcast_in_dim3A_111, %select_n3A : vector<2048x128xi1>, vector<2048x128xf32>
    %get3A_113 = arith.constant 0 : index
    %get3A_114 = arith.constant 0 : index
    %get3A_115 = vector.load %arg8[%get3A_113, %get3A_114] : memref<2048x128xf32, #tpu.memory_space<vmem>>, vector<2048x128xf32>
    %mul3A_116 = arith.mulf %select_n3A_112, %get3A_115 : vector<2048x128xf32>
    %reshape3A_117 = vector.shape_cast %mul3A_116 : vector<2048x128xf32> to vector<128x16x128xf32>
    %reduce_sum3A_118 = arith.constant dense<0.000000e+00> : vector<128x128xf32>
    %reduce_sum3A_119 = vector.multi_reduction <add>, %reshape3A_117, %reduce_sum3A_118 [1] : vector<128x16x128xf32> to vector<128x128xf32>
    %swap3A = arith.constant 0 : index
    %swap3A_120 = arith.constant 0 : index
    %swap3A_121 = vector.load %arg9[%swap3A, %swap3A_120] : memref<128x128xf32, #tpu.memory_space<vmem>>, vector<128x128xf32>
    tpu.vector_store %arg9[%swap3A, %swap3A_120], %reduce_sum3A_119 {strides = array<i32>} : memref<128x128xf32, #tpu.memory_space<vmem>>, vector<128x128xf32>,
    return
  }
  func.func @transform_0(%arg0: i32) -> (i32, i32) {
    %c0_i32 = arith.constant 0 : i32
    %c0_i32_0 = arith.constant 0 : i32
    return %arg0, %c0_i32 : i32, i32
  }
  func.func @transform_1(%arg0: i32) -> (i32, i32) {
    %c0_i32 = arith.constant 0 : i32
    %c0_i32_0 = arith.constant 0 : i32
    %c0_i32_1 = arith.constant 0 : i32
    return %c0_i32, %c0_i32_0 : i32, i32
  }
  func.func @transform_2(%arg0: i32) -> (i32, i32) {
    %c0_i32 = arith.constant 0 : i32
    %c0_i32_0 = arith.constant 0 : i32
    %c0_i32_1 = arith.constant 0 : i32
    return %c0_i32, %c0_i32_0 : i32, i32
  }
  func.func @transform_3(%arg0: i32) -> (i32, i32) {
    %c0_i32 = arith.constant 0 : i32
    %c0_i32_0 = arith.constant 0 : i32
    %c0_i32_1 = arith.constant 0 : i32
    return %c0_i32, %c0_i32_0 : i32, i32
  }
  func.func @transform_4(%arg0: i32) -> (i32, i32) {
    %c0_i32 = arith.constant 0 : i32
    %c0_i32_0 = arith.constant 0 : i32
    %c0_i32_1 = arith.constant 0 : i32
    return %c0_i32, %c0_i32_0 : i32, i32
  }
  func.func @transform_5(%arg0: i32) -> (i32, i32) {
    %c0_i32 = arith.constant 0 : i32
    %c0_i32_0 = arith.constant 0 : i32
    %c0_i32_1 = arith.constant 0 : i32
    return %c0_i32, %c0_i32_0 : i32, i32
  }
  func.func @transform_6(%arg0: i32) -> (i32, i32) {
    %c0_i32 = arith.constant 0 : i32
    %c0_i32_0 = arith.constant 0 : i32
    %c0_i32_1 = arith.constant 0 : i32
    return %c0_i32, %c0_i32_0 : i32, i32
  }
  func.func @transform_7(%arg0: i32) -> (i32, i32) {
    %c0_i32 = arith.constant 0 : i32
    %c0_i32_0 = arith.constant 0 : i32
    return %arg0, %c0_i32 : i32, i32
  }
  func.func @transform_8(%arg0: i32) -> (i32, i32) {
    %c0_i32 = arith.constant 0 : i32
    %c0_i32_0 = arith.constant 0 : i32
    return %arg0, %c0_i32 : i32, i32
  }
}

</mosaic_0001>

<sc_bundles>
// kernel: kernel.12.cloned.1.call-start
scs
__scs_entry_jumppad:
0x0: {  	(pc) =	sbr.rel $0x88, $3  }
0x1: {  	(tag) =	ssettag $0x0;
	lr =	simm.s32 $0x1  }
0x2: {  	[smem:$0x3F85] =	sst lr;
	_ =	strace $0xD0000000  }
0x3: {  	_ = 	snop  }
0x4: {  	_ = 	snop  }
0x5: {  	_ = 	snop  }
0x6: {  	_ = 	snop  }
0x7: {  	_ = 	snop  }
__scs_overlays_trampoline_lowered:
0x8: {  	[smem:$0x3F94] =	sst s0  }
0x9: {  	[smem:$0x3F95] =	sst s1  }
0xa: {  	[smem:$0x3F96] =	sst s2  }
0xb: {  	[smem:$0x3F97] =	sst s3  }
0xc: {  	[smem:$0x3F98] =	sst s4  }
0xd: {  	[smem:$0x3F99] =	sst s5  }
0xe: {  	[smem:$0x3F9A] =	sst s6  }
0xf: {  	[smem:$0x3F9B] =	sst s7  }
0x10: {  	[smem:$0x3F9C] =	sst s8  }
0x11: {  	[smem:$0x3F9D] =	sst s9;
	s0 =	simm.s32 @!p0 $0x0  }
0x12: {  	s1 =	sld [smem:$0x3F83];
	s0 =	simm.s32 @p0 $0x1  }
0x13: {  	[smem:$0x3F9E] =	sst s0;
	s0 =	simm.s32 @!p1 $0x0  }
0x14: {  	s2 =	sld [smem:$0x3F82];
	s0 =	simm.s32 @p1 $0x1  }
0x15: {  	[smem:$0x3F9F] =	sst s0;
	s0 =	simm.s32 @!p2 $0x0  }
0x16: {  	s3 =	sld [smem:$0x3FDB];
	s0 =	simm.s32 @p2 $0x1  }
0x17: {  	s4 =	simm.s32 $0x1BF5;
	[smem:$0x3FA1] =	sst s0  }
0x18: {  	s0 =	sld [smem:$0x3F84];
	_ =	swait.ge [sflag:s4], $0x0  }
0x19: {  	s7 =	sld [smem:$0x3F85]  }
0x1a: {  	s8 =	sadd.s32 $0xFFFFE003, lr  }
0x1b: {  	s9 =	sadd.s32 $0xFFFFFEF7, lr;
	s5 =	simm.s32 $0xFFFFFFFF;
	p2 =	slt.u32 s8, $0xFFFFF086  }
0x1c: {  	p1 =	slt.u32 s9, $0xF7A;
	s5 =	simm.s32 @!p2 $0x0  }
0x1d: {  	s5 =	simm.s32 @p1 $0x1;
	p0 =	seq.s32 s7, s2  }
0x1e: {  	s7 =	smul.u32 @!p0 $0xF7A, s2;
	p2 =	seq.s32 @!p0 s5, $0x0  }
0x1f: {  	s9 =	smul.u32 $0xF7A, s1;
	s8 =	simm.s32 @!p0 $0x1BF5;
	p2 =	por !p2, p0  }
0x20: {  	[sflag:s8] =	ssyncset.s32 @!p0 $0xFFFFF086;
	s6 =	sadd.s32 @!p0 s3, s7;
	s7 =	simm.s32 @!p0 $0x108  }
0x21: {  	s3 =	sadd.s32 s3, s9;
	s6 =	sadd.s32 @!p0 $0x88, s6;
	s7 =	simm.s32 @p2 $0x1082  }
0x22: {  	[simem:s7], [sflag:s8] =	dma.local @!p0 [hbm:s6], $0xF7A  }
0x23: {  	s9 =	sor.u32 $0xD0000000, s2;
	s6 =	simm.s32 $0x108;
	_ =	swait.ge @!p0 [sflag:s8], $0x0  }
0x24: {  	s3 =	sadd.s32 $0x88, s3;
	s6 =	simm.s32 @!p1 $0x1082;
	[sflag:s4] =	ssyncset.s32 $0xFFFFF086  }
0x25: {  	[simem:s6], [sflag:s4] =	dma.local [hbm:s3], $0xF7A  }
0x26: {  	[smem:$0x3F85] =	sst s1;
	(tag) =	ssettag s2;
	_ =	strace s9  }
0x27: {  	s1 =	sld [smem:$0x3F95]  }
0x28: {  	s2 =	sld [smem:$0x3F96]  }
0x29: {  	s4 =	sld [smem:$0x3F98]  }
0x2a: {  	p0 =	seq.s32 s5, $0x0;
	s5 =	sld [smem:$0x3F99]  }
0x2b: {  	s6 =	sld [smem:$0x3F9A]  }
0x2c: {  	s7 =	sld [smem:$0x3F9B]  }
0x2d: {  	s3 =	simm.s32 $0x108;
	s8 =	sld [smem:$0x3F9C]  }
0x2e: {  	s3 =	simm.s32 @!p0 $0x1082;
	s9 =	sld [smem:$0x3F9D]  }
0x2f: {  	lr =	sadd.s32 s0, s3;
	s0 =	sld [smem:$0x3F94]  }
0x30: {  	s3 =	sld [smem:$0x3F97]  }
0x31: {  	[smem:$0x3FA0] =	sst s10  }
0x32: {  	s10 =	sld [smem:$0x3F9E];
	_ =	sdelay $0x3  }
0x33: {  	p0 =	seq.s32 s10, $0x1;
	s10 =	sld [smem:$0x3FA0];
	_ =	sdelay $0x3  }
0x34: {  	[smem:$0x3FA0] =	sst s10  }
0x35: {  	s10 =	sld [smem:$0x3F9F];
	_ =	sdelay $0x3  }
0x36: {  	p1 =	seq.s32 s10, $0x1;
	s10 =	sld [smem:$0x3FA0];
	_ =	sdelay $0x3  }
0x37: {  	[smem:$0x3FA0] =	sst s10  }
0x38: {  	s10 =	sld [smem:$0x3FA1]  }
0x39: {  	_ = 	snop;
	(pc) =	sbr.ind lr, $3  }
0x3a: {  	_ = 	snop  }
0x3b: {  	_ = 	snop  }
0x3c: {  	p2 =	seq.s32 s10, $0x1;
	s10 =	sld [smem:$0x3FA0]  }
0x3d: {  	_ =	shalt  }
0x3e: {  	_ =	shalt  }
0x3f: {  	_ =	shalt  }
0x40: {  	_ =	shalt  }
0x41: {  	_ =	shalt  }
0x42: {  	_ =	shalt  }
0x43: {  	_ =	shalt  }
0x44: {  	_ =	shalt  }
0x45: {  	_ =	shalt  }
0x46: {  	_ =	shalt  }
0x47: {  	_ =	shalt  }
0x48: {  	_ =	shalt  }
0x49: {  	_ =	shalt  }
0x4a: {  	_ =	shalt  }
0x4b: {  	_ =	shalt  }
0x4c: {  	_ =	shalt  }
0x4d: {  	_ =	shalt  }
0x4e: {  	_ =	shalt  }
0x4f: {  	_ =	shalt  }
0x50: {  	_ =	shalt  }
0x51: {  	_ =	shalt  }
0x52: {  	_ =	shalt  }
0x53: {  	_ =	shalt  }
0x54: {  	_ =	shalt  }
0x55: {  	_ =	shalt  }
0x56: {  	_ =	shalt  }
0x57: {  	_ =	shalt  }
0x58: {  	_ =	shalt  }
0x59: {  	_ =	shalt  }
0x5a: {  	_ =	shalt  }
0x5b: {  	_ =	shalt  }
0x5c: {  	_ =	shalt  }
0x5d: {  	_ =	shalt  }
0x5e: {  	_ =	shalt  }
0x5f: {  	_ =	shalt  }
0x60: {  	_ =	shalt  }
0x61: {  	_ =	shalt  }
0x62: {  	_ =	shalt  }
0x63: {  	_ =	shalt  }
0x64: {  	_ =	shalt  }
0x65: {  	_ =	shalt  }
0x66: {  	_ =	shalt  }
0x67: {  	_ =	shalt  }
0x68: {  	_ =	shalt  }
0x69: {  	_ =	shalt  }
0x6a: {  	_ =	shalt  }
0x6b: {  	_ =	shalt  }
0x6c: {  	_ =	shalt  }
0x6d: {  	_ =	shalt  }
0x6e: {  	_ =	shalt  }
0x6f: {  	_ =	shalt  }
0x70: {  	_ =	shalt  }
0x71: {  	_ =	shalt  }
0x72: {  	_ =	shalt  }
0x73: {  	_ =	shalt  }
0x74: {  	_ =	shalt  }
0x75: {  	_ =	shalt  }
0x76: {  	_ =	shalt  }
0x77: {  	_ =	shalt  }
0x78: {  	_ =	shalt  }
0x79: {  	_ =	shalt  }
0x7a: {  	_ =	shalt  }
0x7b: {  	_ =	shalt  }
0x7c: {  	_ =	shalt  }
0x7d: {  	_ =	shalt  }
0x7e: {  	_ =	shalt  }
0x7f: {  	_ =	shalt  }
0x80: {  	_ =	shalt  }
0x81: {  	_ =	shalt  }
0x82: {  	_ =	shalt  }
0x83: {  	_ =	shalt  }
0x84: {  	_ =	shalt  }
0x85: {  	_ =	shalt  }
0x86: {  	_ =	shalt  }
0x87: {  	_ =	shalt  }
.Lfunc_end0:
.L_simem_size_0:
called_computation.1_lowered:
.L_overlay_start_0:
0x88: {  	s2 =	sld [smem:$0x3FD9]  }
0x89: {  	s3 =	sld [smem:$0x3FFE];
	_ =	sdelay $0x1  }
0x8a: {  	s1 =	srdreg.scid  }
0x8b: {  	s0 =	sand.u32 $0x1, s1  }
0x8c: {  	s17 =	sshll.u32 s0, $0xA;
	s2 =	sadd.s32 s3, s2  }
0x8d: {  	s2 =	sadd.s32 s2, s17  }
0x8e: {  	[smem:$0x3FAC] =	sst s2  }
0x8f: {  	_ = 	snop  }
0x90: {  	s2 =	sld [smem:$0x3FD0];
	(tm) =	ssettm $0x1  }
0x91: {  	s18 =	sld [smem:$0x3FFB];
	_ =	sdelay $0x3  }
0x92: {  	_ =	strace s18  }
0x93: {  	s3 =	sld [smem:$0x3FFC];
	_ =	sdelay $0x3  }
0x94: {  	_ =	strace s3  }
0x95: {  	s3 =	sld [smem:$0x3FFD];
	_ =	sdelay $0x3  }
0x96: {  	_ =	strace s3  }
0x97: {  	_ =	strace $0x8FFFFFFF  }
0x98: {  	s19 =	sld [smem:$0x3FDB];
	_ =	sdelay $0x1  }
0x99: {  	s4 =	simm.s32 $_scs_section_size  }
0x9a: {  	s5 =	simm.s32 $_size__tile_overlayer_lowered;
	s6 =	simm.s32 $_tile_overlayer_lowered  }
0x9b: {  	s22 =	simm.s32 $0x1BFF;
	s21 =	sshll.u32 s6, $0x1;
	s3 =	sadd.s32 s4, s19  }
0x9c: {  	s7 =	simm.s32 $0x0;
	s20 =	sshll.u32 s5, $0x1;
	s5 =	sadd.s32 s21, s3  }
0x9d: {  	[timem:s7], [sflag:s22] =	dma.local [hbm:s5], s20  }
0x9e: {  	_ =	swait.ge [sflag:s22], s20  }
0x9f: {  	s4 =	ssub.s32 $0x0, s20;
	[sflag:s22] =	ssyncset.done $0x0  }
0xa0: {  	[sflag:s22] =	ssyncadd.s32 s4;
	_ =	sdelay $0x1  }
0xa1: {  	s23 =	simm.s32 $0x1B8B  }
0xa2: {  	_ =	swait.ge [sflag:s23], $0x1  }
0xa3: {  	[sflag:s23] =	ssyncset.done $0x0  }
0xa4: {  	s25 =	simm.s32 $0x1B8E;
	s24 =	sld [smem:$0x3FFE];
	[sflag:s23] =	ssyncadd.s32 $0xFFFFFFFF  }
0xa5: {  	s26 =	simm.s32 $execute0_lowered;
	[smem:$0x3FD2] =	sst s25  }
0xa6: {  	s5 =	sshll.u32 s26, $0x1;
	_ =	strace $0x80000049;
	[dreg:$0x1] =	wrdreg $0xFFFFFFFF  }
0xa7: {  	s28 =	simm.s32 $_size_execute0_lowered;
	s3 =	sadd.s32 s3, s5;
	[dreg:$0x0] =	wrdreg $0x0  }
0xa8: {  	s5 =	sshll.u32 s28, $0x1;
	[dreg:$0x2] =	wrdreg s3  }
0xa9: {  	[dreg:$0x3] =	wrdreg s5  }
0xaa: {  	[dreg:$0x4] =	wrdreg $0xC0  }
0xab: {  	_ =	task [dreg:s7], $0x5FFFF  }
0xac: {  	[dreg:$0x1] =	wrdreg $0xFFFFFFFF  }
0xad: {  	[dreg:$0x0] =	wrdreg $0x60  }
0xae: {  	[dreg:$0x2] =	wrdreg s24  }
0xaf: {  	[dreg:$0x3] =	wrdreg s2  }
0xb0: {  	[dreg:$0x4] =	wrdreg $0x9  }
0xb1: {  	_ =	task.clear_ibuf [dreg:s7], $0x5FFFF;
	_ =	strace $0x90000049  }
0xb2: {  	s29 =	simm.s32 $0x9;
	_ =	strace $0x8000004B  }
0xb3: {  	_ =	swait.ge [sflag:s29], $0x1  }
0xb4: {  	[sflag:s29] =	ssyncadd.s32 $0xFFFFFFFF  }
0xb5: {  	_ =	strace $0x9000004B  }
0xb6: {  	_ =	sfence  }
0xb7: {  	s30 =	sld [smem:$0x0];
	_ =	sdelay $0x2  }
0xb8: {  	s31 =	sshll.u32 s1, $0xD;
	s1 =	sshrl.u32 s1, $0x2  }
0xb9: {  	s3 =	sand.u32 $0x4000, s31;
	s1 =	sadd.s32 s1, s30  }
0xba: {  	s0 =	sor.u32 s3, s0;
	s1 =	sshll.u32 s1, $0x11  }
0xbb: {  	s0 =	sor.u32 s1, s0  }
0xbc: {  	s0 =	sadd.s32 $0x8F2B, s0  }
0xbd: {  	[sflag:s0] =	ssyncadd.remote.s32 $0x1  }
0xbe: {  	_ =	sfence.sel $0xFFFF  }
0xbf: {  	[dreg:$0x0] =	wrdreg $0xFFFFFFFF;
	(pc) =	sbr.abs _section_cstart, $3  }
0xc0: {  	[dreg:$0x1] =	wrdreg $0xFFFFFFFF  }
0xc1: {  	_ =	task.clear_ibuf [dreg:s7], $0x2FFFF;
	_ =	strace $0x9FFFFFFF  }
0xc2: {  	(tm) =	ssettm $0x7FFFFFFF  }
0xc3: {  	_ =	shalt  }
tec
execute0_lowered:
.L_overlay_start_1:
0x0: {  	(tag) =	ssettag $0x1  }
0x1: {  	s4 =	rddreg [dreg:$0x0]  }
0x2: {  	s5 =	rddreg [dreg:$0x1]  }
0x3: {  	s0 =	rddreg [dreg:$0x2];
	s2 =	simm.s32 $0x0  }
0x4: {  	s1 =	stileid.u32;
	s3 =	srdreg.scid;
	s11 =	simm.s32 $0x0  }
0x5: {  	[smem:$0x7FF] =	sst s2;
	s6 =	sshll.u32 s1, $0x11;
	s7 =	sand.u32 $0x1, s3  }
0x6: {  	s3 =	sadd.s32 $0x2400, s4;
	s9 =	sshll.u32 s1, $0xA;
	_ =	strace $0x8000004A  }
0x7: {  	s6 =	sadd.s32 s6, s4;
	s30 =	ssub.s32 $0x2, s7;
	s10 =	sshll.u32 s7, $0x9  }
0x8: {  	s7 =	sshll.u32 s7, $0x10;
	s8 =	sshrl.u32 s30, $0x1;
	s31 =	sor.u32 s10, s9  }
0x9: {  	s6 =	sadd.s32 s7, s6;
	s7 =	simm.s32 $0x2;
	s9 =	simm.s32 $0x1000  }
0xa: {  	s10 =	simm.s32 $0x1;
	s8 =	ssub.s32 s30, s8;
	s4 =	sadd.s32 s5, s31  }
0xb: {  	s6 =	sadd.s32 $0x42400, s6;
	s5 =	smax.u32 s8, $0x1;
	s8 =	simm.s32 $0x80  }
.LBB2_1:
0xc: {  	[tilespmem:s2], [sflag:$0x2] =	stream.linear.gather [hbm4b:s4+s2], $0x1000, $0x38;
	[tilespmem:$0x5000] =	vst v63  }
0xd: {  	_ =	swait.ge [sflag:s7], $0x1000  }
0xe: {  	[sflag:s7] =	ssyncset.done $0x0  }
0xf: {  	s12 =	simm.s32 $0x0;
	[sflag:s7] =	ssyncadd.s32 $0xFFFFF000  }
0x10: {  	[tilespmem:s9], [sflag:$0x1] =	stream.indirect.gather [hbm4b:s3+s8], $0x80, s12, s8, $0xb8;
	[tilespmem:$0x5000] =	vst v63  }
0x11: {  	_ =	swait.ge [sflag:s10], $0x4000  }
0x12: {  	[sflag:s10] =	ssyncset.done $0x0  }
0x13: {  	[sflag:s10] =	ssyncadd.s32 $0xFFFFC000  }
0x14: {  	[hbm4b:s6+s2] =	stream.linear.scatter [tilespmem:s9], [sflag:$0x2], $0x4000, $0x38;
	[tilespmem:$0x5000] =	vst v63  }
0x15: {  	s13 =	simm.s32 $0x200;
	_ =	swait.ge [sflag:s7], $0x4000  }
0x16: {  	s14 =	simm.s32 $0x400;
	s12 =	sadd.s32 $0x800, s6;
	[sflag:s7] =	ssyncset.done $0x0  }
.LBB2_2:
0x17: {  	s15 =	sshra.s32 s13, $0x2  }
0x18: {  	[sflag:s7] =	ssyncadd.s32 $0xFFFFC000;
	s13 =	smov.u32 s14;
	s16 =	sadd.s32 $0x200, s14  }
0x19: {  	[tilespmem:s9], [sflag:$0x1] =	stream.indirect.gather [hbm4b:s3+s8], $0x80, s15, s8, $0xb8;
	[tilespmem:$0x5000] =	vst v63  }
0x1a: {  	p0 =	sne.s32 s14, $0x3E00;
	_ =	swait.ge [sflag:s10], $0x4000  }
.Ltmp0:
0x1b: {  	[sflag:s10] =	ssyncset.done $0x0;
	(pc) =	sbr.rel @p0 .LBB2_2-.Ltmp0, $4  }
0x1c: {  	[sflag:s10] =	ssyncadd.s32 $0xFFFFC000  }
0x1d: {  	[hbm4b:s12+s2] =	stream.linear.scatter [tilespmem:s9], [sflag:$0x2], $0x4000, $0x38;
	[tilespmem:$0x5000] =	vst v63  }
0x1e: {  	_ =	swait.ge [sflag:s7], $0x4000  }
0x1f: {  	s14 =	smov.u32 s16;
	s12 =	sadd.s32 $0x800, s12;
	[sflag:s7] =	ssyncset.done $0x0  }
0x20: {  	s13 =	sshra.s32 s13, $0x2;
	[sflag:s7] =	ssyncadd.s32 $0xFFFFC000  }
0x21: {  	[tilespmem:s9], [sflag:$0x1] =	stream.indirect.gather [hbm4b:s3+s8], $0x80, s13, s8, $0xb8;
	[tilespmem:$0x5000] =	vst v63  }
0x22: {  	s11 =	sadd.s32 $0x1, s11;
	_ =	swait.ge [sflag:s10], $0x4000  }
0x23: {  	p0 =	sne.s32 s11, s5;
	[sflag:s10] =	ssyncset.done $0x0  }
.Ltmp1:
0x24: {  	[sflag:s10] =	ssyncadd.s32 $0xFFFFC000;
	(pc) =	sbr.rel @p0 .LBB2_1-.Ltmp1, $4  }
0x25: {  	[hbm4b:s12+s2] =	stream.linear.scatter [tilespmem:s9], [sflag:$0x2], $0x4000, $0x38;
	[tilespmem:$0x5000] =	vst v63  }
0x26: {  	_ =	swait.ge [sflag:s7], $0x4000  }
0x27: {  	[sflag:s7] =	ssyncset.done $0x0  }
0x28: {  	[sflag:s7] =	ssyncadd.s32 $0xFFFFC000  }
0x29: {  	_ =	sfence.sel $0x180000  }
0x2a: {  	[bflag:$0x0] =	sbarrier.arrive $0xFFFF  }
0x2b: {  	p0 =	sne.s32 s1, $0x0;
	_ =	strace $0x9000004A  }
0x2c: {  	s0 =	sadd.s32 @!p0 $0x100000, s0;
	[bflag:$0x2] =	sbarrier.arrive $0xFFFF  }
0x2d: {  	[sflag:s0] =	ssyncadd.tile.s32 @!p0 $0x1;
	_ =	shalt  }
.Lfunc_end2:
_tile_overlayer_lowered:
.L_overlay_start_2:
0x2e: {  	(tag) =	ssettag $0x2  }
0x2f: {  	s0 =	rddreg [dreg:$0x0];
	s2 =	stileid.u32  }
0x30: {  	s1 =	rddreg [dreg:$0x1];
	p0 =	sne.s32 s2, $0x0  }
0x31: {  	s3 =	rddreg [dreg:$0x2];
	[bflag:$0x3] =	sbarrier.arrive $0xFFFF;
	s2 =	simm.s32 @!p0 $0x1C02  }
0x32: {  	[timem:s3], [sflag:s2] =	dma.local @!p0 [hbm:s0], s1  }
0x33: {  	s0 =	simm.s32 @!p0 $0x2  }
0x34: {  	_ =	swait.ge @!p0 [sflag:s0], s1  }
0x35: {  	s1 =	ssub.s32 @!p0 $0x0, s1;
	[sflag:s0] =	ssyncset.done @!p0 $0x0  }
0x36: {  	[sflag:s0] =	ssyncadd.s32 @!p0 s1  }
0x37: {  	[bflag:$0x3] =	sbarrier.arrive $0xFFFF  }
0x38: {  	_ =	shalt  }

// kernel: kernel.9.cloned.1.call-start
scs
__scs_entry_jumppad:
0x0: {  	(pc) =	sbr.rel $0x88, $3  }
0x1: {  	(tag) =	ssettag $0x0;
	lr =	simm.s32 $0x1  }
0x2: {  	[smem:$0x3F85] =	sst lr;
	_ =	strace $0xD0000000  }
0x3: {  	_ = 	snop  }
0x4: {  	_ = 	snop  }
0x5: {  	_ = 	snop  }
0x6: {  	_ = 	snop  }
0x7: {  	_ = 	snop  }
__scs_overlays_trampoline_lowered:
0x8: {  	[smem:$0x3F94] =	sst s0  }
0x9: {  	[smem:$0x3F95] =	sst s1  }
0xa: {  	[smem:$0x3F96] =	sst s2  }
0xb: {  	[smem:$0x3F97] =	sst s3  }
0xc: {  	[smem:$0x3F98] =	sst s4  }
0xd: {  	[smem:$0x3F99] =	sst s5  }
0xe: {  	[smem:$0x3F9A] =	sst s6  }
0xf: {  	[smem:$0x3F9B] =	sst s7  }
0x10: {  	[smem:$0x3F9C] =	sst s8  }
0x11: {  	[smem:$0x3F9D] =	sst s9;
	s0 =	simm.s32 @!p0 $0x0  }
0x12: {  	s1 =	sld [smem:$0x3F83];
	s0 =	simm.s32 @p0 $0x1  }
0x13: {  	[smem:$0x3F9E] =	sst s0;
	s0 =	simm.s32 @!p1 $0x0  }
0x14: {  	s2 =	sld [smem:$0x3F82];
	s0 =	simm.s32 @p1 $0x1  }
0x15: {  	[smem:$0x3F9F] =	sst s0;
	s0 =	simm.s32 @!p2 $0x0  }
0x16: {  	s3 =	sld [smem:$0x3FDB];
	s0 =	simm.s32 @p2 $0x1  }
0x17: {  	s4 =	simm.s32 $0x1BF5;
	[smem:$0x3FA1] =	sst s0  }
0x18: {  	s0 =	sld [smem:$0x3F84];
	_ =	swait.ge [sflag:s4], $0x0  }
0x19: {  	s7 =	sld [smem:$0x3F85]  }
0x1a: {  	s8 =	sadd.s32 $0xFFFFE003, lr  }
0x1b: {  	s9 =	sadd.s32 $0xFFFFFEF7, lr;
	s5 =	simm.s32 $0xFFFFFFFF;
	p2 =	slt.u32 s8, $0xFFFFF086  }
0x1c: {  	p1 =	slt.u32 s9, $0xF7A;
	s5 =	simm.s32 @!p2 $0x0  }
0x1d: {  	s5 =	simm.s32 @p1 $0x1;
	p0 =	seq.s32 s7, s2  }
0x1e: {  	s7 =	smul.u32 @!p0 $0xF7A, s2;
	p2 =	seq.s32 @!p0 s5, $0x0  }
0x1f: {  	s9 =	smul.u32 $0xF7A, s1;
	s8 =	simm.s32 @!p0 $0x1BF5;
	p2 =	por !p2, p0  }
0x20: {  	[sflag:s8] =	ssyncset.s32 @!p0 $0xFFFFF086;
	s6 =	sadd.s32 @!p0 s3, s7;
	s7 =	simm.s32 @!p0 $0x108  }
0x21: {  	s3 =	sadd.s32 s3, s9;
	s6 =	sadd.s32 @!p0 $0x88, s6;
	s7 =	simm.s32 @p2 $0x1082  }
0x22: {  	[simem:s7], [sflag:s8] =	dma.local @!p0 [hbm:s6], $0xF7A  }
0x23: {  	s9 =	sor.u32 $0xD0000000, s2;
	s6 =	simm.s32 $0x108;
	_ =	swait.ge @!p0 [sflag:s8], $0x0  }
0x24: {  	s3 =	sadd.s32 $0x88, s3;
	s6 =	simm.s32 @!p1 $0x1082;
	[sflag:s4] =	ssyncset.s32 $0xFFFFF086  }
0x25: {  	[simem:s6], [sflag:s4] =	dma.local [hbm:s3], $0xF7A  }
0x26: {  	[smem:$0x3F85] =	sst s1;
	(tag) =	ssettag s2;
	_ =	strace s9  }
0x27: {  	s1 =	sld [smem:$0x3F95]  }
0x28: {  	s2 =	sld [smem:$0x3F96]  }
0x29: {  	s4 =	sld [smem:$0x3F98]  }
0x2a: {  	p0 =	seq.s32 s5, $0x0;
	s5 =	sld [smem:$0x3F99]  }
0x2b: {  	s6 =	sld [smem:$0x3F9A]  }
0x2c: {  	s7 =	sld [smem:$0x3F9B]  }
0x2d: {  	s3 =	simm.s32 $0x108;
	s8 =	sld [smem:$0x3F9C]  }
0x2e: {  	s3 =	simm.s32 @!p0 $0x1082;
	s9 =	sld [smem:$0x3F9D]  }
0x2f: {  	lr =	sadd.s32 s0, s3;
	s0 =	sld [smem:$0x3F94]  }
0x30: {  	s3 =	sld [smem:$0x3F97]  }
0x31: {  	[smem:$0x3FA0] =	sst s10  }
0x32: {  	s10 =	sld [smem:$0x3F9E];
	_ =	sdelay $0x3  }
0x33: {  	p0 =	seq.s32 s10, $0x1;
	s10 =	sld [smem:$0x3FA0];
	_ =	sdelay $0x3  }
0x34: {  	[smem:$0x3FA0] =	sst s10  }
0x35: {  	s10 =	sld [smem:$0x3F9F];
	_ =	sdelay $0x3  }
0x36: {  	p1 =	seq.s32 s10, $0x1;
	s10 =	sld [smem:$0x3FA0];
	_ =	sdelay $0x3  }
0x37: {  	[smem:$0x3FA0] =	sst s10  }
0x38: {  	s10 =	sld [smem:$0x3FA1]  }
0x39: {  	_ = 	snop;
	(pc) =	sbr.ind lr, $3  }
0x3a: {  	_ = 	snop  }
0x3b: {  	_ = 	snop  }
0x3c: {  	p2 =	seq.s32 s10, $0x1;
	s10 =	sld [smem:$0x3FA0]  }
0x3d: {  	_ =	shalt  }
0x3e: {  	_ =	shalt  }
0x3f: {  	_ =	shalt  }
0x40: {  	_ =	shalt  }
0x41: {  	_ =	shalt  }
0x42: {  	_ =	shalt  }
0x43: {  	_ =	shalt  }
0x44: {  	_ =	shalt  }
0x45: {  	_ =	shalt  }
0x46: {  	_ =	shalt  }
0x47: {  	_ =	shalt  }
0x48: {  	_ =	shalt  }
0x49: {  	_ =	shalt  }
0x4a: {  	_ =	shalt  }
0x4b: {  	_ =	shalt  }
0x4c: {  	_ =	shalt  }
0x4d: {  	_ =	shalt  }
0x4e: {  	_ =	shalt  }
0x4f: {  	_ =	shalt  }
0x50: {  	_ =	shalt  }
0x51: {  	_ =	shalt  }
0x52: {  	_ =	shalt  }
0x53: {  	_ =	shalt  }
0x54: {  	_ =	shalt  }
0x55: {  	_ =	shalt  }
0x56: {  	_ =	shalt  }
0x57: {  	_ =	shalt  }
0x58: {  	_ =	shalt  }
0x59: {  	_ =	shalt  }
0x5a: {  	_ =	shalt  }
0x5b: {  	_ =	shalt  }
0x5c: {  	_ =	shalt  }
0x5d: {  	_ =	shalt  }
0x5e: {  	_ =	shalt  }
0x5f: {  	_ =	shalt  }
0x60: {  	_ =	shalt  }
0x61: {  	_ =	shalt  }
0x62: {  	_ =	shalt  }
0x63: {  	_ =	shalt  }
0x64: {  	_ =	shalt  }
0x65: {  	_ =	shalt  }
0x66: {  	_ =	shalt  }
0x67: {  	_ =	shalt  }
0x68: {  	_ =	shalt  }
0x69: {  	_ =	shalt  }
0x6a: {  	_ =	shalt  }
0x6b: {  	_ =	shalt  }
0x6c: {  	_ =	shalt  }
0x6d: {  	_ =	shalt  }
0x6e: {  	_ =	shalt  }
0x6f: {  	_ =	shalt  }
0x70: {  	_ =	shalt  }
0x71: {  	_ =	shalt  }
0x72: {  	_ =	shalt  }
0x73: {  	_ =	shalt  }
0x74: {  	_ =	shalt  }
0x75: {  	_ =	shalt  }
0x76: {  	_ =	shalt  }
0x77: {  	_ =	shalt  }
0x78: {  	_ =	shalt  }
0x79: {  	_ =	shalt  }
0x7a: {  	_ =	shalt  }
0x7b: {  	_ =	shalt  }
0x7c: {  	_ =	shalt  }
0x7d: {  	_ =	shalt  }
0x7e: {  	_ =	shalt  }
0x7f: {  	_ =	shalt  }
0x80: {  	_ =	shalt  }
0x81: {  	_ =	shalt  }
0x82: {  	_ =	shalt  }
0x83: {  	_ =	shalt  }
0x84: {  	_ =	shalt  }
0x85: {  	_ =	shalt  }
0x86: {  	_ =	shalt  }
0x87: {  	_ =	shalt  }
.Lfunc_end0:
.L_simem_size_0:
called_computation_lowered:
.L_overlay_start_0:
0x88: {  	s2 =	sld [smem:$0x3FD9]  }
0x89: {  	s3 =	sld [smem:$0x3FFE];
	_ =	sdelay $0x1  }
0x8a: {  	s1 =	srdreg.scid  }
0x8b: {  	s0 =	sand.u32 $0x1, s1  }
0x8c: {  	s17 =	sshll.u32 s0, $0xA;
	s2 =	sadd.s32 s3, s2  }
0x8d: {  	s2 =	sadd.s32 s2, s17  }
0x8e: {  	[smem:$0x3FAC] =	sst s2  }
0x8f: {  	_ = 	snop  }
0x90: {  	s2 =	sld [smem:$0x3FD0];
	(tm) =	ssettm $0x1  }
0x91: {  	s18 =	sld [smem:$0x3FFB];
	_ =	sdelay $0x3  }
0x92: {  	_ =	strace s18  }
0x93: {  	s3 =	sld [smem:$0x3FFC];
	_ =	sdelay $0x3  }
0x94: {  	_ =	strace s3  }
0x95: {  	s3 =	sld [smem:$0x3FFD];
	_ =	sdelay $0x3  }
0x96: {  	_ =	strace s3  }
0x97: {  	_ =	strace $0x8FFFFFFF  }
0x98: {  	s19 =	sld [smem:$0x3FDB];
	_ =	sdelay $0x1  }
0x99: {  	s4 =	simm.s32 $_scs_section_size  }
0x9a: {  	s5 =	simm.s32 $_size__tile_overlayer_lowered;
	s6 =	simm.s32 $_tile_overlayer_lowered  }
0x9b: {  	s22 =	simm.s32 $0x1BFF;
	s21 =	sshll.u32 s6, $0x1;
	s3 =	sadd.s32 s4, s19  }
0x9c: {  	s7 =	simm.s32 $0x0;
	s20 =	sshll.u32 s5, $0x1;
	s5 =	sadd.s32 s21, s3  }
0x9d: {  	[timem:s7], [sflag:s22] =	dma.local [hbm:s5], s20  }
0x9e: {  	_ =	swait.ge [sflag:s22], s20  }
0x9f: {  	s4 =	ssub.s32 $0x0, s20;
	[sflag:s22] =	ssyncset.done $0x0  }
0xa0: {  	[sflag:s22] =	ssyncadd.s32 s4;
	_ =	sdelay $0x1  }
0xa1: {  	s23 =	simm.s32 $0x1B8B  }
0xa2: {  	_ =	swait.ge [sflag:s23], $0x1  }
0xa3: {  	[sflag:s23] =	ssyncset.done $0x0  }
0xa4: {  	s25 =	simm.s32 $0x1B8E;
	s24 =	sld [smem:$0x3FFE];
	[sflag:s23] =	ssyncadd.s32 $0xFFFFFFFF  }
0xa5: {  	s26 =	simm.s32 $execute0_lowered;
	[smem:$0x3FD2] =	sst s25  }
0xa6: {  	s5 =	sshll.u32 s26, $0x1;
	_ =	strace $0x80000046;
	[dreg:$0x1] =	wrdreg $0xFFFFFFFF  }
0xa7: {  	s28 =	simm.s32 $_size_execute0_lowered;
	s3 =	sadd.s32 s3, s5;
	[dreg:$0x0] =	wrdreg $0x0  }
0xa8: {  	s5 =	sshll.u32 s28, $0x1;
	[dreg:$0x2] =	wrdreg s3  }
0xa9: {  	[dreg:$0x3] =	wrdreg s5  }
0xaa: {  	[dreg:$0x4] =	wrdreg $0xC0  }
0xab: {  	_ =	task [dreg:s7], $0x5FFFF  }
0xac: {  	[dreg:$0x1] =	wrdreg $0xFFFFFFFF  }
0xad: {  	[dreg:$0x0] =	wrdreg $0x60  }
0xae: {  	[dreg:$0x2] =	wrdreg s24  }
0xaf: {  	[dreg:$0x3] =	wrdreg s2  }
0xb0: {  	[dreg:$0x4] =	wrdreg $0x9  }
0xb1: {  	_ =	task.clear_ibuf [dreg:s7], $0x5FFFF;
	_ =	strace $0x90000046  }
0xb2: {  	s29 =	simm.s32 $0x9;
	_ =	strace $0x80000048  }
0xb3: {  	_ =	swait.ge [sflag:s29], $0x1  }
0xb4: {  	[sflag:s29] =	ssyncadd.s32 $0xFFFFFFFF  }
0xb5: {  	_ =	strace $0x90000048  }
0xb6: {  	_ =	sfence  }
0xb7: {  	s30 =	sld [smem:$0x0];
	_ =	sdelay $0x2  }
0xb8: {  	s31 =	sshll.u32 s1, $0xD;
	s1 =	sshrl.u32 s1, $0x2  }
0xb9: {  	s3 =	sand.u32 $0x4000, s31;
	s1 =	sadd.s32 s1, s30  }
0xba: {  	s0 =	sor.u32 s3, s0;
	s1 =	sshll.u32 s1, $0x11  }
0xbb: {  	s0 =	sor.u32 s1, s0  }
0xbc: {  	s0 =	sadd.s32 $0x8F2B, s0  }
0xbd: {  	[sflag:s0] =	ssyncadd.remote.s32 $0x1  }
0xbe: {  	_ =	sfence.sel $0xFFFF  }
0xbf: {  	[dreg:$0x0] =	wrdreg $0xFFFFFFFF;
	(pc) =	sbr.abs _section_cstart, $3  }
0xc0: {  	[dreg:$0x1] =	wrdreg $0xFFFFFFFF  }
0xc1: {  	_ =	task.clear_ibuf [dreg:s7], $0x2FFFF;
	_ =	strace $0x9FFFFFFF  }
0xc2: {  	(tm) =	ssettm $0x7FFFFFFF  }
0xc3: {  	_ =	shalt  }
tec
execute0_lowered:
.L_overlay_start_1:
0x0: {  	(tag) =	ssettag $0x1  }
0x1: {  	s9 =	rddreg [dreg:$0x0]  }
0x2: {  	s1 =	srdreg.scid;
	s0 =	stileid.u32  }
0x3: {  	s3 =	rddreg [dreg:$0x1];
	s10 =	sand.u32 $0x1, s1;
	s4 =	sshll.u32 s0, $0x1  }
0x4: {  	s2 =	simm.s32 $0x0;
	s1 =	rddreg [dreg:$0x2];
	s11 =	sor.u32 s10, s4  }
0x5: {  	[smem:$0x7FF] =	sst s2;
	s4 =	sshll.u32 s11, $0x5  }
0x6: {  	_ =	strace $0x80000047;
	s4 =	sadd.s32 s3, s4;
	s3 =	simm.s32 $0x2  }
0x7: {  	[tilespmem:s2], [sflag:$0x2] =	stream.linear.gather [hbm4b:s4+s2], $0x100, $0x38;
	[tilespmem:$0x4100] =	vst v63  }
0x8: {  	_ =	swait.ge [sflag:s3], $0x100  }
0x9: {  	s6 =	simm.s32 $0x80;
	s7 =	simm.s32 $0x100;
	[sflag:s3] =	ssyncset.done $0x0  }
0xa: {  	s8 =	simm.s32 $0x1;
	s5 =	sadd.s32 $0x2400, s9;
	[sflag:s3] =	ssyncadd.s32 $0xFFFFFF00  }
0xb: {  	[tilespmem:s7], [sflag:$0x1] =	stream.indirect.gather [hbm4b:s5+s6], $0x80, s2, s6, $0xb8;
	[tilespmem:$0x4100] =	vst v63  }
0xc: {  	s11 =	sshll.u32 s11, $0xC;
	_ =	swait.ge [sflag:s8], $0x4000  }
0xd: {  	s11 =	sadd.s32 s11, s9;
	[sflag:s8] =	ssyncset.done $0x0  }
0xe: {  	s10 =	ssub.s32 $0x2, s10;
	s9 =	sadd.s32 $0x42400, s11;
	[sflag:s8] =	ssyncadd.s32 $0xFFFFC000  }
0xf: {  	[hbm4b:s9+s2] =	stream.linear.scatter [tilespmem:s7], [sflag:$0x2], $0x4000, $0x38;
	[tilespmem:$0x4100] =	vst v63  }
0x10: {  	s12 =	sshrl.u32 s10, $0x1;
	_ =	swait.ge [sflag:s3], $0x4000  }
0x11: {  	s10 =	ssub.s32 s10, s12;
	[sflag:s3] =	ssyncset.done $0x0  }
0x12: {  	s12 =	smax.u32 s10, $0x1;
	[sflag:s3] =	ssyncadd.s32 $0xFFFFC000  }
0x13: {  	[tilespmem:s7], [sflag:$0x1] =	stream.indirect.gather [hbm4b:s5+s6], $0x80, s6, s6, $0xb8;
	[tilespmem:$0x4100] =	vst v63  }
0x14: {  	p0 =	sne.s32 s12, $0x1;
	_ =	swait.ge [sflag:s8], $0x4000  }
.Ltmp0:
0x15: {  	[sflag:s8] =	ssyncset.done $0x0;
	(pc) =	sbr.rel @!p0 .LBB2_2-.Ltmp0, $4  }
0x16: {  	s10 =	sadd.s32 $0x42C00, s11;
	[sflag:s8] =	ssyncadd.s32 $0xFFFFC000  }
0x17: {  	[hbm4b:s10+s2] =	stream.linear.scatter [tilespmem:s7], [sflag:$0x2], $0x4000, $0x38;
	[tilespmem:$0x4100] =	vst v63  }
0x18: {  	_ =	swait.ge [sflag:s3], $0x4000  }
0x19: {  	s11 =	sadd.s32 $0xFFFFFFFF, s12;
	[sflag:s3] =	ssyncset.done $0x0  }
.LBB2_1:
0x1a: {  	p0 =	sne.s32 s11, $0x1;
	s11 =	sadd.s32 $0xFFFFFFFF, s11;
	[sflag:s3] =	ssyncadd.s32 $0xFFFFC000  }
0x1b: {  	[tilespmem:s2], [sflag:$0x2] =	stream.linear.gather [hbm4b:s4+s2], $0x100, $0x38;
	[tilespmem:$0x4100] =	vst v63  }
0x1c: {  	_ =	swait.ge [sflag:s3], $0x100  }
0x1d: {  	[sflag:s3] =	ssyncset.done $0x0  }
0x1e: {  	[sflag:s3] =	ssyncadd.s32 $0xFFFFFF00  }
0x1f: {  	[tilespmem:s7], [sflag:$0x1] =	stream.indirect.gather [hbm4b:s5+s6], $0x80, s2, s6, $0xb8;
	[tilespmem:$0x4100] =	vst v63  }
0x20: {  	_ =	swait.ge [sflag:s8], $0x4000  }
0x21: {  	[sflag:s8] =	ssyncset.done $0x0  }
0x22: {  	[sflag:s8] =	ssyncadd.s32 $0xFFFFC000  }
0x23: {  	[hbm4b:s9+s2] =	stream.linear.scatter [tilespmem:s7], [sflag:$0x2], $0x4000, $0x38;
	[tilespmem:$0x4100] =	vst v63  }
0x24: {  	_ =	swait.ge [sflag:s3], $0x4000  }
0x25: {  	[sflag:s3] =	ssyncset.done $0x0  }
0x26: {  	[sflag:s3] =	ssyncadd.s32 $0xFFFFC000  }
0x27: {  	[tilespmem:s7], [sflag:$0x1] =	stream.indirect.gather [hbm4b:s5+s6], $0x80, s6, s6, $0xb8;
	[tilespmem:$0x4100] =	vst v63  }
0x28: {  	_ =	swait.ge [sflag:s8], $0x4000  }
.Ltmp1:
0x29: {  	[sflag:s8] =	ssyncset.done $0x0;
	(pc) =	sbr.rel @p0 .LBB2_1-.Ltmp1, $4  }
0x2a: {  	[sflag:s8] =	ssyncadd.s32 $0xFFFFC000  }
0x2b: {  	[hbm4b:s10+s2] =	stream.linear.scatter [tilespmem:s7], [sflag:$0x2], $0x4000, $0x38;
	[tilespmem:$0x4100] =	vst v63  }
0x2c: {  	_ =	swait.ge [sflag:s3], $0x4000  }
0x2d: {  	[sflag:s3] =	ssyncset.done $0x0  }
.LBB2_2:
0x2e: {  	[sflag:s3] =	ssyncadd.s32 $0xFFFFC000  }
0x2f: {  	_ =	sfence.sel $0x180000  }
0x30: {  	[bflag:$0x0] =	sbarrier.arrive $0xFFFF  }
0x31: {  	p0 =	sne.s32 s0, $0x0;
	_ =	strace $0x90000047  }
0x32: {  	s0 =	sadd.s32 @!p0 $0x100000, s1;
	[bflag:$0x2] =	sbarrier.arrive $0xFFFF  }
0x33: {  	[sflag:s0] =	ssyncadd.tile.s32 @!p0 $0x1;
	_ =	shalt  }
.Lfunc_end2:
_tile_overlayer_lowered:
.L_overlay_start_2:
0x34: {  	(tag) =	ssettag $0x2  }
0x35: {  	s0 =	rddreg [dreg:$0x0];
	s2 =	stileid.u32  }
0x36: {  	s1 =	rddreg [dreg:$0x1];
	p0 =	sne.s32 s2, $0x0  }
0x37: {  	s3 =	rddreg [dreg:$0x2];
	[bflag:$0x3] =	sbarrier.arrive $0xFFFF;
	s2 =	simm.s32 @!p0 $0x1C02  }
0x38: {  	[timem:s3], [sflag:s2] =	dma.local @!p0 [hbm:s0], s1  }
0x39: {  	s0 =	simm.s32 @!p0 $0x2  }
0x3a: {  	_ =	swait.ge @!p0 [sflag:s0], s1  }
0x3b: {  	s1 =	ssub.s32 @!p0 $0x0, s1;
	[sflag:s0] =	ssyncset.done @!p0 $0x0  }
0x3c: {  	[sflag:s0] =	ssyncadd.s32 @!p0 s1  }
0x3d: {  	[bflag:$0x3] =	sbarrier.arrive $0xFFFF  }
0x3e: {  	_ =	shalt  }

</sc_bundles>
